<compile_context>
chip_gen: v7x
topology: tpu7x:2x2x1
jax: 0.10.2.dev20260603
libtpu: 0.0.44.dev20260713+nightly
codegen_flags: <defaults>
</compile_context>

<pallas_src>
import functools

import jax
import jax.numpy as jnp
from jax import lax
from jax.experimental import pallas as pl
from jax.experimental.pallas import tpu as pltpu
from jax.experimental.pallas import tpu_sc as plsc

N_NODES = 10000
D = 256
HALF = 128
CW = 16
NC = 2
NS = 16
B = 32
NBUF = 4
N_ACC = 10240
CHUNK = N_ACC // NS


def _sc_segment_sums(xfeat, garr, tarr, zf, zc, onesb, ept):
    n_batches = ept // B
    n_groups = n_batches // NBUF
    n_sub = B // 16
    mesh = plsc.VectorSubcoreMesh(core_axis_name="c", subcore_axis_name="s")

    @functools.partial(
        pl.kernel,
        out_type=(
            jax.ShapeDtypeStruct((2, NC, N_ACC, HALF), jnp.float32),
            jax.ShapeDtypeStruct((2, NC, N_ACC, CW), jnp.float32),
        ),
        mesh=mesh,
        scratch_types=[
            pltpu.VMEM_SHARED((N_ACC, HALF), jnp.float32),
            pltpu.VMEM_SHARED((N_ACC, CW), jnp.float32),
            pltpu.VMEM((ept,), jnp.int32),
            pltpu.VMEM((ept,), jnp.int32),
            pltpu.VMEM((16, CW), jnp.float32),
        ] + [pltpu.VMEM((B, HALF), jnp.float32) for _ in range(NBUF)]
          + [pltpu.SemaphoreType.DMA for _ in range(2 * NBUF)]
          + [pltpu.SemaphoreType.DMA],
        compiler_params=pltpu.CompilerParams(use_tc_tiling_on_sc=False),
    )
    def k(xfeat_hbm, garr_hbm, tarr_hbm, zf_hbm, zc_hbm, onesb_hbm,
          outf_hbm, outc_hbm,
          accf_sh, accc_sh, gidx_f, tgt_f, cntsrc, *bufs_and_sems):
        rows = bufs_and_sems[:NBUF]
        sg = bufs_and_sems[NBUF:2 * NBUF]
        ss = bufs_and_sems[2 * NBUF:3 * NBUF]
        scnt = bufs_and_sems[3 * NBUF]
        c = lax.axis_index("c")
        s = lax.axis_index("s")
        row0 = pl.multiple_of(s * CHUNK, 8)
        pltpu.sync_copy(onesb_hbm, cntsrc)
        pltpu.sync_copy(zf_hbm.at[pl.ds(0, CHUNK)],
                        accf_sh.at[pl.ds(row0, CHUNK)])
        pltpu.sync_copy(zc_hbm.at[pl.ds(0, CHUNK)],
                        accc_sh.at[pl.ds(row0, CHUNK)])
        plsc.subcore_barrier()
        for d in range(2):
            pltpu.sync_copy(garr_hbm.at[d, c, s], gidx_f)
            pltpu.sync_copy(tarr_hbm.at[d, s], tgt_f)

            for j in range(NBUF):
                pltpu.async_copy(
                    xfeat_hbm.at[gidx_f.at[pl.ds(j * B, B)]], rows[j], sg[j])

            def group(i, carry):
                base = i * (NBUF * B)
                cs = []
                for j in range(NBUF):
                    pltpu.make_async_copy(
                        xfeat_hbm.at[gidx_f.at[pl.ds(base + j * B, B)]],
                        rows[j], sg[j]).wait()
                    for kk in range(n_sub):
                        tv = tgt_f[pl.ds(base + j * B + kk * 16, 16)]
                        cs.append(pltpu.async_copy(
                            rows[j].at[pl.ds(kk * 16, 16)],
                            accf_sh.at[tv], ss[j], add=True))
                        pltpu.async_copy(cntsrc, accc_sh.at[tv], scnt,
                                         add=True)
                for j in range(NBUF):
                    for kk in range(n_sub):
                        cs[j * n_sub + kk].wait()

                    @pl.when(i < n_groups - 1)
                    def _():
                        pltpu.async_copy(
                            xfeat_hbm.at[gidx_f.at[
                                pl.ds(base + (NBUF + j) * B, B)]],
                            rows[j], sg[j])
                return carry

            lax.fori_loop(0, n_groups, group, 0)

            def drain(i, carry):
                pltpu.make_async_copy(onesb_hbm, cntsrc, scnt).wait()
                return carry

            lax.fori_loop(0, n_batches * n_sub, drain, 0)
            plsc.subcore_barrier()
            pltpu.sync_copy(accf_sh.at[pl.ds(row0, CHUNK)],
                            outf_hbm.at[d, c, pl.ds(row0, CHUNK)])
            pltpu.sync_copy(accc_sh.at[pl.ds(row0, CHUNK)],
                            outc_hbm.at[d, c, pl.ds(row0, CHUNK)])
            if d == 0:
                pltpu.sync_copy(zf_hbm.at[pl.ds(0, CHUNK)],
                                accf_sh.at[pl.ds(row0, CHUNK)])
                pltpu.sync_copy(zc_hbm.at[pl.ds(0, CHUNK)],
                                accc_sh.at[pl.ds(row0, CHUNK)])
                plsc.subcore_barrier()

    return k(xfeat, garr, tarr, zf, zc, onesb)


def _tc_root(x, W_root, bias):
    blk = 400
    grid = (N_NODES // blk,)

    def body(x_ref, wr_ref, b_ref, o_ref):
        o_ref[...] = lax.dot_general(
            x_ref[...], wr_ref[...],
            dimension_numbers=(((1,), (0,)), ((), ())),
            precision=lax.Precision.HIGHEST,
            preferred_element_type=jnp.float32,
        ) + b_ref[...]

    return pl.pallas_call(
        body,
        grid=grid,
        in_specs=[
            pl.BlockSpec((blk, D), lambda i: (i, 0)),
            pl.BlockSpec((D, D), lambda i: (0, 0)),
            pl.BlockSpec((1, D), lambda i: (0, 0)),
        ],
        out_specs=pl.BlockSpec((blk, D), lambda i: (i, 0)),
        out_shape=jax.ShapeDtypeStruct((N_NODES, D), jnp.float32),
    )(x, W_root, bias)


def _tc_combine(aggf, aggc, root, W_in, W_out):
    blk = 400
    grid = (N_NODES // blk,)

    def body(aggf_ref, aggc_ref, root_ref, wi_ref, wo_ref, o_ref):
        dot = functools.partial(
            lax.dot_general,
            dimension_numbers=(((1,), (0,)), ((), ())),
            precision=lax.Precision.HIGHEST,
            preferred_element_type=jnp.float32,
        )
        acc = root_ref[...]
        for d, w_ref in ((0, wi_ref), (1, wo_ref)):
            cnt = aggc_ref[d, 0, :, 0:1]
            scale = 0.5 / jnp.maximum(cnt, 1.0)
            for c in range(2):
                h = aggf_ref[d, c, :, :] * scale
                acc = acc + dot(h, w_ref[c * HALF:(c + 1) * HALF, :])
        o_ref[...] = acc

    return pl.pallas_call(
        body,
        grid=grid,
        in_specs=[
            pl.BlockSpec((2, NC, blk, HALF), lambda i: (0, 0, i, 0)),
            pl.BlockSpec((2, NC, blk, CW), lambda i: (0, 0, i, 0)),
            pl.BlockSpec((blk, D), lambda i: (i, 0)),
            pl.BlockSpec((D, D), lambda i: (0, 0)),
            pl.BlockSpec((D, D), lambda i: (0, 0)),
        ],
        out_specs=pl.BlockSpec((blk, D), lambda i: (i, 0)),
        out_shape=jax.ShapeDtypeStruct((N_NODES, D), jnp.float32),
    )(aggf, aggc, root, W_in, W_out)


def kernel(x, edge_index, W_in, b_in, W_out, b_out, W_root, b_root):
    n_edges = edge_index.shape[1]
    src = edge_index[0].astype(jnp.int32)
    dst = edge_index[1].astype(jnp.int32)

    xfeat = jnp.concatenate([x[:, :HALF], x[:, HALF:]], axis=0)

    ept = ((n_edges // NS) + NBUF * B - 1) // (NBUF * B) * (NBUF * B)
    e_pad = NS * ept
    pad = e_pad - n_edges
    pad_g = jnp.arange(pad, dtype=jnp.int32) % N_NODES
    pad_t = N_NODES + (jnp.arange(pad, dtype=jnp.int32) % (N_ACC - N_NODES))

    def tiled(idx, pad_vals):
        return jnp.concatenate([idx, pad_vals]).reshape(NS, ept)

    garr = jnp.stack([
        jnp.stack([tiled(src, pad_g), tiled(src + N_NODES, pad_g)]),
        jnp.stack([tiled(dst, pad_g), tiled(dst + N_NODES, pad_g)]),
    ])
    tarr = jnp.stack([tiled(dst, pad_t), tiled(src, pad_t)])

    zf = jnp.zeros((CHUNK, HALF), jnp.float32)
    zc = jnp.zeros((CHUNK, CW), jnp.float32)
    onesb = jnp.concatenate(
        [jnp.ones((16, 1), jnp.float32), jnp.zeros((16, CW - 1), jnp.float32)],
        axis=1)
    bias = (0.5 * b_in + 0.5 * b_out + b_root).reshape(1, D)
    aggf, aggc = _sc_segment_sums(xfeat, garr, tarr, zf, zc, onesb, ept)
    root = _tc_root(x, W_root, bias)
    return _tc_combine(aggf, aggc, root, W_in, W_out)

# --- scband reference (transcript-rebuilt; emitter-appended) ---
"""Pipeline reference for scband-dir-gnnconv-7473243095260 (READ-ONLY COPY).

The authoritative reference and input builder live on the scoring server;
editing this copy changes nothing except your own understanding.
"""

import jax, jax.numpy as jnp
import numpy as np

N_NODES = 10000
N_EDGES = 160000
D = 256


def setup_inputs(seed: int = 0) -> dict:
    key = jax.random.key(seed)
    k_x, k_e, k1, k2, k3, k4, k5, k6 = jax.random.split(key, 8)
    scale = 1.0 / np.sqrt(D)
    x = jax.random.normal(k_x, (N_NODES, D), dtype=jnp.float32)
    edge_index = jax.random.randint(k_e, (2, N_EDGES), 0, N_NODES, dtype=jnp.int64)
    W_in = jax.random.normal(k1, (D, D), dtype=jnp.float32) * scale
    b_in = jnp.zeros((D,), dtype=jnp.float32)
    W_out = jax.random.normal(k2, (D, D), dtype=jnp.float32) * scale
    b_out = jnp.zeros((D,), dtype=jnp.float32)
    W_root = jax.random.normal(k3, (D, D), dtype=jnp.float32) * scale
    b_root = jnp.zeros((D,), dtype=jnp.float32)
    return {"x": x, "edge_index": edge_index, "W_in": W_in, "b_in": b_in,
            "W_out": W_out, "b_out": b_out, "W_root": W_root, "b_root": b_root}


def _sage_mean(x, src, dst, W, b, num_nodes):
    # PyG SAGEConv with root_weight=False (disabled by DirGNNConv wrapper):
    # out = lin_l(mean_{j in N(i)} x_j)
    msg = jnp.take(x, src, axis=0)
    agg = jax.ops.segment_sum(msg, dst, num_segments=num_nodes)
    cnt = jax.ops.segment_sum(jnp.ones((src.shape[0], 1), dtype=x.dtype), dst,
                              num_segments=num_nodes)
    mean = agg / jnp.maximum(cnt, 1.0)
    return mean @ W + b


def reference(x, edge_index, W_in, b_in, W_out, b_out, W_root, b_root):
    alpha = 0.5
    num_nodes = x.shape[0]
    src = edge_index[0]
    dst = edge_index[1]
    # conv_in: messages flow src -> dst (original edge direction)
    x_in = _sage_mean(x, src, dst, W_in, b_in, num_nodes)
    # conv_out: messages flow dst -> src (flipped edge_index)
    x_out = _sage_mean(x, dst, src, W_out, b_out, num_nodes)
    out = alpha * x_out + (1.0 - alpha) * x_in
    # root_weight=True: add transformed root node features
    out = out + (x @ W_root + b_root)
    return out

if __name__ == "__main__":
    import jax
    _d = setup_inputs()
    print(jax.jit(kernel)(*tuple(_d.values())))

</pallas_src>

<mosaic_0001>
#map = affine_map<(d0, d1) -> (0, 0)>
#map1 = affine_map<(d0, d1) -> (0, 0, 0, 0)>
#map2 = affine_map<(d0, d1) -> (0, 0, 0)>
module attributes {stable_mosaic.version = 14 : i64} {
  func.func @k(%arg0: i32, %arg1: i32, %arg2: memref<20000x128xf32, #tpu.memory_space<hbm>>, %arg3: memref<2x2x16x10112xi32, #tpu.memory_space<hbm>>, %arg4: memref<2x16x10112xi32, #tpu.memory_space<hbm>>, %arg5: memref<640x128xf32, #tpu.memory_space<hbm>>, %arg6: memref<640x16xf32, #tpu.memory_space<hbm>>, %arg7: memref<16x16xf32, #tpu.memory_space<hbm>>, %arg8: memref<2x2x10240x128xf32, #tpu.memory_space<hbm>>, %arg9: memref<2x2x10240x16xf32, #tpu.memory_space<hbm>>, %arg10: memref<10240x128xf32, #tpu.memory_space<vmem_shared>>, %arg11: memref<10240x16xf32, #tpu.memory_space<vmem_shared>>, %arg12: memref<10112xi32, #tpu.memory_space<vmem>>, %arg13: memref<10112xi32, #tpu.memory_space<vmem>>, %arg14: memref<16x16xf32, #tpu.memory_space<vmem>>, %arg15: memref<32x128xf32, #tpu.memory_space<vmem>>, %arg16: memref<32x128xf32, #tpu.memory_space<vmem>>, %arg17: memref<32x128xf32, #tpu.memory_space<vmem>>, %arg18: memref<32x128xf32, #tpu.memory_space<vmem>>, %arg19: memref<!tpu.dma_semaphore, #tpu.memory_space<semaphore_mem>>, %arg20: memref<!tpu.dma_semaphore, #tpu.memory_space<semaphore_mem>>, %arg21: memref<!tpu.dma_semaphore, #tpu.memory_space<semaphore_mem>>, %arg22: memref<!tpu.dma_semaphore, #tpu.memory_space<semaphore_mem>>, %arg23: memref<!tpu.dma_semaphore, #tpu.memory_space<semaphore_mem>>, %arg24: memref<!tpu.dma_semaphore, #tpu.memory_space<semaphore_mem>>, %arg25: memref<!tpu.dma_semaphore, #tpu.memory_space<semaphore_mem>>, %arg26: memref<!tpu.dma_semaphore, #tpu.memory_space<semaphore_mem>>, %arg27: memref<!tpu.dma_semaphore, #tpu.memory_space<semaphore_mem>>) attributes {dimension_semantics = [#tpu.dimension_semantics<core_parallel>, #tpu.dimension_semantics<subcore_parallel>], iteration_bounds = array<i64: 2, 16>, scalar_prefetch = 0 : i64, scratch_operands = 18 : i64, tpu.core_type = #tpu.core_type<sc_vector_subcore>, window_params = [{transform_indices = #map}, {transform_indices = #map1}, {transform_indices = #map2}, {transform_indices = #map}, {transform_indices = #map}, {transform_indices = #map}, {transform_indices = #map1}, {transform_indices = #map1}]} {
    %mul3A = arith.constant 640 : i32
    %mul3A_0 = arith.muli %arg1, %mul3A : i32
    %multiple_of3A = tpu.assume_multiple %mul3A_0, 8 : i32
    "tpu.region"() ({
      %run_scoped3A_73 = tpu.sem_alloc : memref<!tpu.dma_semaphore, #tpu.memory_space<semaphore_mem>>
      tpu.enqueue_dma source(%arg7 : memref<16x16xf32, #tpu.memory_space<hbm>>) target(%arg14 : memref<16x16xf32, #tpu.memory_space<vmem>>) target_semaphore(%run_scoped3A_73 : memref<!tpu.dma_semaphore, #tpu.memory_space<semaphore_mem>>)
      tpu.wait_dma2 semaphore(%run_scoped3A_73 : memref<!tpu.dma_semaphore, #tpu.memory_space<semaphore_mem>>) src(%arg7 : memref<16x16xf32, #tpu.memory_space<hbm>>) dst(%arg14 : memref<16x16xf32, #tpu.memory_space<vmem>>)
      tpu.yield
    }) : () -> ()
    "tpu.region"() ({
      %run_scoped3A_73 = tpu.sem_alloc : memref<!tpu.dma_semaphore, #tpu.memory_space<semaphore_mem>>
      %dma_start3A_74 = arith.constant 0 : i32
      %dma_start3A_75 = tpu.memref_slice %arg10[%multiple_of3A, %dma_start3A_74] : memref<10240x128xf32, #tpu.memory_space<vmem_shared>> -> memref<640x128xf32, #tpu.memory_space<vmem_shared>>
      %dma_start3A_76 = arith.constant 0 : i32
      %dma_start3A_77 = arith.constant 0 : i32
      %dma_start3A_78 = tpu.memref_slice %arg5[%dma_start3A_76, %dma_start3A_77] : memref<640x128xf32, #tpu.memory_space<hbm>> -> memref<640x128xf32, #tpu.memory_space<hbm>>
      tpu.enqueue_dma source(%dma_start3A_78 : memref<640x128xf32, #tpu.memory_space<hbm>>) target(%dma_start3A_75 : memref<640x128xf32, #tpu.memory_space<vmem_shared>>) target_semaphore(%run_scoped3A_73 : memref<!tpu.dma_semaphore, #tpu.memory_space<semaphore_mem>>)
      %dma_wait3A = arith.constant 0 : i32
      %dma_wait3A_79 = tpu.memref_slice %arg10[%multiple_of3A, %dma_wait3A] : memref<10240x128xf32, #tpu.memory_space<vmem_shared>> -> memref<640x128xf32, #tpu.memory_space<vmem_shared>>
      %dma_wait3A_80 = arith.constant 0 : i32
      %dma_wait3A_81 = arith.constant 0 : i32
      %dma_wait3A_82 = tpu.memref_slice %arg5[%dma_wait3A_80, %dma_wait3A_81] : memref<640x128xf32, #tpu.memory_space<hbm>> -> memref<640x128xf32, #tpu.memory_space<hbm>>
      tpu.wait_dma2 semaphore(%run_scoped3A_73 : memref<!tpu.dma_semaphore, #tpu.memory_space<semaphore_mem>>) src(%dma_wait3A_82 : memref<640x128xf32, #tpu.memory_space<hbm>>) dst(%dma_wait3A_79 : memref<640x128xf32, #tpu.memory_space<vmem_shared>>)
      tpu.yield
    }) : () -> ()
    "tpu.region"() ({
      %run_scoped3A_73 = tpu.sem_alloc : memref<!tpu.dma_semaphore, #tpu.memory_space<semaphore_mem>>
      %dma_start3A_74 = arith.constant 0 : i32
      %dma_start3A_75 = tpu.memref_slice %arg11[%multiple_of3A, %dma_start3A_74] : memref<10240x16xf32, #tpu.memory_space<vmem_shared>> -> memref<640x16xf32, #tpu.memory_space<vmem_shared>>
      %dma_start3A_76 = arith.constant 0 : i32
      %dma_start3A_77 = arith.constant 0 : i32
      %dma_start3A_78 = tpu.memref_slice %arg6[%dma_start3A_76, %dma_start3A_77] : memref<640x16xf32, #tpu.memory_space<hbm>> -> memref<640x16xf32, #tpu.memory_space<hbm>>
      tpu.enqueue_dma source(%dma_start3A_78 : memref<640x16xf32, #tpu.memory_space<hbm>>) target(%dma_start3A_75 : memref<640x16xf32, #tpu.memory_space<vmem_shared>>) target_semaphore(%run_scoped3A_73 : memref<!tpu.dma_semaphore, #tpu.memory_space<semaphore_mem>>)
      %dma_wait3A = arith.constant 0 : i32
      %dma_wait3A_79 = tpu.memref_slice %arg11[%multiple_of3A, %dma_wait3A] : memref<10240x16xf32, #tpu.memory_space<vmem_shared>> -> memref<640x16xf32, #tpu.memory_space<vmem_shared>>
      %dma_wait3A_80 = arith.constant 0 : i32
      %dma_wait3A_81 = arith.constant 0 : i32
      %dma_wait3A_82 = tpu.memref_slice %arg6[%dma_wait3A_80, %dma_wait3A_81] : memref<640x16xf32, #tpu.memory_space<hbm>> -> memref<640x16xf32, #tpu.memory_space<hbm>>
      tpu.wait_dma2 semaphore(%run_scoped3A_73 : memref<!tpu.dma_semaphore, #tpu.memory_space<semaphore_mem>>) src(%dma_wait3A_82 : memref<640x16xf32, #tpu.memory_space<hbm>>) dst(%dma_wait3A_79 : memref<640x16xf32, #tpu.memory_space<vmem_shared>>)
      tpu.yield
    }) : () -> ()
    %barrier3A = arith.constant 0 : index
    tpu.barrier barrier_id(%barrier3A)
    %run_scoped3A = arith.constant 0 : i32
    "tpu.region"() ({
      %run_scoped3A_73 = tpu.sem_alloc : memref<!tpu.dma_semaphore, #tpu.memory_space<semaphore_mem>>
      %dma_start3A_74 = arith.constant 0 : i32
      %dma_start3A_75 = tpu.memref_slice %arg3[%run_scoped3A, %arg0, %arg1, %dma_start3A_74] : memref<2x2x16x10112xi32, #tpu.memory_space<hbm>> -> memref<1x1x1x10112xi32, #tpu.memory_space<hbm>>
      %dma_start3A_76 = tpu.memref_squeeze %dma_start3A_75 : memref<1x1x1x10112xi32, #tpu.memory_space<hbm>> -> memref<10112xi32, #tpu.memory_space<hbm>>
      %dma_start3A_77 = arith.constant 0 : i32
      %dma_start3A_78 = tpu.memref_slice %arg3[%run_scoped3A, %arg0, %arg1, %dma_start3A_77] : memref<2x2x16x10112xi32, #tpu.memory_space<hbm>> -> memref<1x1x1x10112xi32, #tpu.memory_space<hbm>>
      %dma_start3A_79 = tpu.memref_squeeze %dma_start3A_78 : memref<1x1x1x10112xi32, #tpu.memory_space<hbm>> -> memref<10112xi32, #tpu.memory_space<hbm>>
      tpu.enqueue_dma source(%dma_start3A_79 : memref<10112xi32, #tpu.memory_space<hbm>>) target(%arg12 : memref<10112xi32, #tpu.memory_space<vmem>>) target_semaphore(%run_scoped3A_73 : memref<!tpu.dma_semaphore, #tpu.memory_space<semaphore_mem>>)
      %dma_wait3A = arith.constant 0 : i32
      %dma_wait3A_80 = tpu.memref_slice %arg3[%run_scoped3A, %arg0, %arg1, %dma_wait3A] : memref<2x2x16x10112xi32, #tpu.memory_space<hbm>> -> memref<1x1x1x10112xi32, #tpu.memory_space<hbm>>
      %dma_wait3A_81 = tpu.memref_squeeze %dma_wait3A_80 : memref<1x1x1x10112xi32, #tpu.memory_space<hbm>> -> memref<10112xi32, #tpu.memory_space<hbm>>
      %dma_wait3A_82 = arith.constant 0 : i32
      %dma_wait3A_83 = tpu.memref_slice %arg3[%run_scoped3A, %arg0, %arg1, %dma_wait3A_82] : memref<2x2x16x10112xi32, #tpu.memory_space<hbm>> -> memref<1x1x1x10112xi32, #tpu.memory_space<hbm>>
      %dma_wait3A_84 = tpu.memref_squeeze %dma_wait3A_83 : memref<1x1x1x10112xi32, #tpu.memory_space<hbm>> -> memref<10112xi32, #tpu.memory_space<hbm>>
      tpu.wait_dma2 semaphore(%run_scoped3A_73 : memref<!tpu.dma_semaphore, #tpu.memory_space<semaphore_mem>>) src(%dma_wait3A_84 : memref<10112xi32, #tpu.memory_space<hbm>>) dst(%arg12 : memref<10112xi32, #tpu.memory_space<vmem>>)
      tpu.yield
    }) : () -> ()
    %run_scoped3A_1 = arith.constant 0 : i32
    "tpu.region"() ({
      %run_scoped3A_73 = tpu.sem_alloc : memref<!tpu.dma_semaphore, #tpu.memory_space<semaphore_mem>>
      %dma_start3A_74 = arith.constant 0 : i32
      %dma_start3A_75 = tpu.memref_slice %arg4[%run_scoped3A_1, %arg1, %dma_start3A_74] : memref<2x16x10112xi32, #tpu.memory_space<hbm>> -> memref<1x1x10112xi32, #tpu.memory_space<hbm>>
      %dma_start3A_76 = tpu.memref_squeeze %dma_start3A_75 : memref<1x1x10112xi32, #tpu.memory_space<hbm>> -> memref<10112xi32, #tpu.memory_space<hbm>>
      %dma_start3A_77 = arith.constant 0 : i32
      %dma_start3A_78 = tpu.memref_slice %arg4[%run_scoped3A_1, %arg1, %dma_start3A_77] : memref<2x16x10112xi32, #tpu.memory_space<hbm>> -> memref<1x1x10112xi32, #tpu.memory_space<hbm>>
      %dma_start3A_79 = tpu.memref_squeeze %dma_start3A_78 : memref<1x1x10112xi32, #tpu.memory_space<hbm>> -> memref<10112xi32, #tpu.memory_space<hbm>>
      tpu.enqueue_dma source(%dma_start3A_79 : memref<10112xi32, #tpu.memory_space<hbm>>) target(%arg13 : memref<10112xi32, #tpu.memory_space<vmem>>) target_semaphore(%run_scoped3A_73 : memref<!tpu.dma_semaphore, #tpu.memory_space<semaphore_mem>>)
      %dma_wait3A = arith.constant 0 : i32
      %dma_wait3A_80 = tpu.memref_slice %arg4[%run_scoped3A_1, %arg1, %dma_wait3A] : memref<2x16x10112xi32, #tpu.memory_space<hbm>> -> memref<1x1x10112xi32, #tpu.memory_space<hbm>>
      %dma_wait3A_81 = tpu.memref_squeeze %dma_wait3A_80 : memref<1x1x10112xi32, #tpu.memory_space<hbm>> -> memref<10112xi32, #tpu.memory_space<hbm>>
      %dma_wait3A_82 = arith.constant 0 : i32
      %dma_wait3A_83 = tpu.memref_slice %arg4[%run_scoped3A_1, %arg1, %dma_wait3A_82] : memref<2x16x10112xi32, #tpu.memory_space<hbm>> -> memref<1x1x10112xi32, #tpu.memory_space<hbm>>
      %dma_wait3A_84 = tpu.memref_squeeze %dma_wait3A_83 : memref<1x1x10112xi32, #tpu.memory_space<hbm>> -> memref<10112xi32, #tpu.memory_space<hbm>>
      tpu.wait_dma2 semaphore(%run_scoped3A_73 : memref<!tpu.dma_semaphore, #tpu.memory_space<semaphore_mem>>) src(%dma_wait3A_84 : memref<10112xi32, #tpu.memory_space<hbm>>) dst(%arg13 : memref<10112xi32, #tpu.memory_space<vmem>>)
      tpu.yield
    }) : () -> ()
    %dma_start3A = arith.constant 0 : i32
    %dma_start3A_2 = tpu.memref_slice %arg12[%dma_start3A] : memref<10112xi32, #tpu.memory_space<vmem>> -> memref<32xi32, #tpu.memory_space<vmem>>
    %dma_start3A_3 = arith.constant 0 : i32
    %dma_start3A_4 = arith.constant 0 : i32
    %dma_start3A_5 = tpu.memref_slice %arg2[%dma_start3A_3, %dma_start3A_4] : memref<20000x128xf32, #tpu.memory_space<hbm>> -> memref<20000x128xf32, #tpu.memory_space<hbm>>
    tpu.enqueue_indirect_dma source(%dma_start3A_5 : memref<20000x128xf32, #tpu.memory_space<hbm>>) target(%arg15 : memref<32x128xf32, #tpu.memory_space<vmem>>) offsets(%dma_start3A_2 : memref<32xi32, #tpu.memory_space<vmem>>) semaphore(%arg19 : memref<!tpu.dma_semaphore, #tpu.memory_space<semaphore_mem>>)
    %dma_start3A_6 = arith.constant 32 : i32
    %dma_start3A_7 = tpu.memref_slice %arg12[%dma_start3A_6] : memref<10112xi32, #tpu.memory_space<vmem>> -> memref<32xi32, #tpu.memory_space<vmem>>
    %dma_start3A_8 = arith.constant 0 : i32
    %dma_start3A_9 = arith.constant 0 : i32
    %dma_start3A_10 = tpu.memref_slice %arg2[%dma_start3A_8, %dma_start3A_9] : memref<20000x128xf32, #tpu.memory_space<hbm>> -> memref<20000x128xf32, #tpu.memory_space<hbm>>
    tpu.enqueue_indirect_dma source(%dma_start3A_10 : memref<20000x128xf32, #tpu.memory_space<hbm>>) target(%arg16 : memref<32x128xf32, #tpu.memory_space<vmem>>) offsets(%dma_start3A_7 : memref<32xi32, #tpu.memory_space<vmem>>) semaphore(%arg20 : memref<!tpu.dma_semaphore, #tpu.memory_space<semaphore_mem>>)
    %dma_start3A_11 = arith.constant 64 : i32
    %dma_start3A_12 = tpu.memref_slice %arg12[%dma_start3A_11] : memref<10112xi32, #tpu.memory_space<vmem>> -> memref<32xi32, #tpu.memory_space<vmem>>
    %dma_start3A_13 = arith.constant 0 : i32
    %dma_start3A_14 = arith.constant 0 : i32
    %dma_start3A_15 = tpu.memref_slice %arg2[%dma_start3A_13, %dma_start3A_14] : memref<20000x128xf32, #tpu.memory_space<hbm>> -> memref<20000x128xf32, #tpu.memory_space<hbm>>
    tpu.enqueue_indirect_dma source(%dma_start3A_15 : memref<20000x128xf32, #tpu.memory_space<hbm>>) target(%arg17 : memref<32x128xf32, #tpu.memory_space<vmem>>) offsets(%dma_start3A_12 : memref<32xi32, #tpu.memory_space<vmem>>) semaphore(%arg21 : memref<!tpu.dma_semaphore, #tpu.memory_space<semaphore_mem>>)
    %dma_start3A_16 = arith.constant 96 : i32
    %dma_start3A_17 = tpu.memref_slice %arg12[%dma_start3A_16] : memref<10112xi32, #tpu.memory_space<vmem>> -> memref<32xi32, #tpu.memory_space<vmem>>
    %dma_start3A_18 = arith.constant 0 : i32
    %dma_start3A_19 = arith.constant 0 : i32
    %dma_start3A_20 = tpu.memref_slice %arg2[%dma_start3A_18, %dma_start3A_19] : memref<20000x128xf32, #tpu.memory_space<hbm>> -> memref<20000x128xf32, #tpu.memory_space<hbm>>
    tpu.enqueue_indirect_dma source(%dma_start3A_20 : memref<20000x128xf32, #tpu.memory_space<hbm>>) target(%arg18 : memref<32x128xf32, #tpu.memory_space<vmem>>) offsets(%dma_start3A_17 : memref<32xi32, #tpu.memory_space<vmem>>) semaphore(%arg22 : memref<!tpu.dma_semaphore, #tpu.memory_space<semaphore_mem>>)
    %scan3A = arith.constant 0 : i32
    %scan3A_21 = arith.constant 0 : i32
    %scan3A_22 = arith.constant 79 : i32
    %scan3A_23 = arith.addi %scan3A_21, %scan3A_22 : i32
    %scan3A_24 = arith.constant 1 : i32
    scf.for %scan3A_73 = %scan3A_21 to %scan3A_23 step %scan3A_24  : i32 {
      %mul3A_74 = arith.constant 128 : i32
      %mul3A_75 = arith.muli %scan3A_73, %mul3A_74 : i32
      %add3A = arith.constant 0 : i32
      %add3A_76 = arith.addi %mul3A_75, %add3A : i32
      %dma_wait3A = tpu.memref_slice %arg12[%add3A_76] : memref<10112xi32, #tpu.memory_space<vmem>> -> memref<32xi32, #tpu.memory_space<vmem>>
      %dma_wait3A_77 = arith.constant 0 : i32
      %dma_wait3A_78 = arith.constant 0 : i32
      %dma_wait3A_79 = tpu.memref_slice %arg2[%dma_wait3A_77, %dma_wait3A_78] : memref<20000x128xf32, #tpu.memory_space<hbm>> -> memref<20000x128xf32, #tpu.memory_space<hbm>>
      tpu.wait_indirect_dma semaphore(%arg19 : memref<!tpu.dma_semaphore, #tpu.memory_space<semaphore_mem>>) src(%dma_wait3A_79 : memref<20000x128xf32, #tpu.memory_space<hbm>>) dst(%arg15 : memref<32x128xf32, #tpu.memory_space<vmem>>)
      %add3A_80 = arith.constant 0 : i32
      %add3A_81 = arith.addi %mul3A_75, %add3A_80 : i32
      %add3A_82 = arith.constant 0 : i32
      %add3A_83 = arith.addi %add3A_81, %add3A_82 : i32
      %get3A = arith.index_cast %add3A_83 : i32 to index
      %get3A_84 = tpu.vector_load %arg13[%get3A] {strides = array<i32>} : memref<10112xi32, #tpu.memory_space<vmem>>, vector<16xi32>,
      %get3A_85 = vector.shape_cast %get3A_84 : vector<16xi32> to vector<16xi32>
      %dma_start3A_86 = arith.constant 0 : i32
      %dma_start3A_87 = arith.constant 0 : i32
      %dma_start3A_88 = tpu.memref_slice %arg15[%dma_start3A_86, %dma_start3A_87] : memref<32x128xf32, #tpu.memory_space<vmem>> -> memref<16x128xf32, #tpu.memory_space<vmem>>
      %dma_start3A_89 = arith.constant 0 : i32
      %dma_start3A_90 = arith.constant 0 : i32
      %dma_start3A_91 = tpu.memref_slice %arg10[%dma_start3A_89, %dma_start3A_90] : memref<10240x128xf32, #tpu.memory_space<vmem_shared>> -> memref<10240x128xf32, #tpu.memory_space<vmem_shared>>
      tpu.enqueue_indirect_dma source(%dma_start3A_88 : memref<16x128xf32, #tpu.memory_space<vmem>>) target(%dma_start3A_91 : memref<10240x128xf32, #tpu.memory_space<vmem_shared>>) offsets(%get3A_85 : vector<16xi32>) semaphore(%arg23 : memref<!tpu.dma_semaphore, #tpu.memory_space<semaphore_mem>>) {add = true}
      %dma_start3A_92 = arith.constant 0 : i32
      %dma_start3A_93 = arith.constant 0 : i32
      %dma_start3A_94 = tpu.memref_slice %arg11[%dma_start3A_92, %dma_start3A_93] : memref<10240x16xf32, #tpu.memory_space<vmem_shared>> -> memref<10240x16xf32, #tpu.memory_space<vmem_shared>>
      tpu.enqueue_indirect_dma source(%arg14 : memref<16x16xf32, #tpu.memory_space<vmem>>) target(%dma_start3A_94 : memref<10240x16xf32, #tpu.memory_space<vmem_shared>>) offsets(%get3A_85 : vector<16xi32>) semaphore(%arg27 : memref<!tpu.dma_semaphore, #tpu.memory_space<semaphore_mem>>) {add = true}
      %add3A_95 = arith.constant 0 : i32
      %add3A_96 = arith.addi %mul3A_75, %add3A_95 : i32
      %add3A_97 = arith.constant 16 : i32
      %add3A_98 = arith.addi %add3A_96, %add3A_97 : i32
      %get3A_99 = arith.index_cast %add3A_98 : i32 to index
      %get3A_100 = tpu.vector_load %arg13[%get3A_99] {strides = array<i32>} : memref<10112xi32, #tpu.memory_space<vmem>>, vector<16xi32>,
      %get3A_101 = vector.shape_cast %get3A_100 : vector<16xi32> to vector<16xi32>
      %dma_start3A_102 = arith.constant 16 : i32
      %dma_start3A_103 = arith.constant 0 : i32
      %dma_start3A_104 = tpu.memref_slice %arg15[%dma_start3A_102, %dma_start3A_103] : memref<32x128xf32, #tpu.memory_space<vmem>> -> memref<16x128xf32, #tpu.memory_space<vmem>>
      %dma_start3A_105 = arith.constant 0 : i32
      %dma_start3A_106 = arith.constant 0 : i32
      %dma_start3A_107 = tpu.memref_slice %arg10[%dma_start3A_105, %dma_start3A_106] : memref<10240x128xf32, #tpu.memory_space<vmem_shared>> -> memref<10240x128xf32, #tpu.memory_space<vmem_shared>>
      tpu.enqueue_indirect_dma source(%dma_start3A_104 : memref<16x128xf32, #tpu.memory_space<vmem>>) target(%dma_start3A_107 : memref<10240x128xf32, #tpu.memory_space<vmem_shared>>) offsets(%get3A_101 : vector<16xi32>) semaphore(%arg23 : memref<!tpu.dma_semaphore, #tpu.memory_space<semaphore_mem>>) {add = true}
      %dma_start3A_108 = arith.constant 0 : i32
      %dma_start3A_109 = arith.constant 0 : i32
      %dma_start3A_110 = tpu.memref_slice %arg11[%dma_start3A_108, %dma_start3A_109] : memref<10240x16xf32, #tpu.memory_space<vmem_shared>> -> memref<10240x16xf32, #tpu.memory_space<vmem_shared>>
      tpu.enqueue_indirect_dma source(%arg14 : memref<16x16xf32, #tpu.memory_space<vmem>>) target(%dma_start3A_110 : memref<10240x16xf32, #tpu.memory_space<vmem_shared>>) offsets(%get3A_101 : vector<16xi32>) semaphore(%arg27 : memref<!tpu.dma_semaphore, #tpu.memory_space<semaphore_mem>>) {add = true}
      %add3A_111 = arith.constant 32 : i32
      %add3A_112 = arith.addi %mul3A_75, %add3A_111 : i32
      %dma_wait3A_113 = tpu.memref_slice %arg12[%add3A_112] : memref<10112xi32, #tpu.memory_space<vmem>> -> memref<32xi32, #tpu.memory_space<vmem>>
      %dma_wait3A_114 = arith.constant 0 : i32
      %dma_wait3A_115 = arith.constant 0 : i32
      %dma_wait3A_116 = tpu.memref_slice %arg2[%dma_wait3A_114, %dma_wait3A_115] : memref<20000x128xf32, #tpu.memory_space<hbm>> -> memref<20000x128xf32, #tpu.memory_space<hbm>>
      tpu.wait_indirect_dma semaphore(%arg20 : memref<!tpu.dma_semaphore, #tpu.memory_space<semaphore_mem>>) src(%dma_wait3A_116 : memref<20000x128xf32, #tpu.memory_space<hbm>>) dst(%arg16 : memref<32x128xf32, #tpu.memory_space<vmem>>)
      %add3A_117 = arith.constant 32 : i32
      %add3A_118 = arith.addi %mul3A_75, %add3A_117 : i32
      %add3A_119 = arith.constant 0 : i32
      %add3A_120 = arith.addi %add3A_118, %add3A_119 : i32
      %get3A_121 = arith.index_cast %add3A_120 : i32 to index
      %get3A_122 = tpu.vector_load %arg13[%get3A_121] {strides = array<i32>} : memref<10112xi32, #tpu.memory_space<vmem>>, vector<16xi32>,
      %get3A_123 = vector.shape_cast %get3A_122 : vector<16xi32> to vector<16xi32>
      %dma_start3A_124 = arith.constant 0 : i32
      %dma_start3A_125 = arith.constant 0 : i32
      %dma_start3A_126 = tpu.memref_slice %arg16[%dma_start3A_124, %dma_start3A_125] : memref<32x128xf32, #tpu.memory_space<vmem>> -> memref<16x128xf32, #tpu.memory_space<vmem>>
      %dma_start3A_127 = arith.constant 0 : i32
      %dma_start3A_128 = arith.constant 0 : i32
      %dma_start3A_129 = tpu.memref_slice %arg10[%dma_start3A_127, %dma_start3A_128] : memref<10240x128xf32, #tpu.memory_space<vmem_shared>> -> memref<10240x128xf32, #tpu.memory_space<vmem_shared>>
      tpu.enqueue_indirect_dma source(%dma_start3A_126 : memref<16x128xf32, #tpu.memory_space<vmem>>) target(%dma_start3A_129 : memref<10240x128xf32, #tpu.memory_space<vmem_shared>>) offsets(%get3A_123 : vector<16xi32>) semaphore(%arg24 : memref<!tpu.dma_semaphore, #tpu.memory_space<semaphore_mem>>) {add = true}
      %dma_start3A_130 = arith.constant 0 : i32
      %dma_start3A_131 = arith.constant 0 : i32
      %dma_start3A_132 = tpu.memref_slice %arg11[%dma_start3A_130, %dma_start3A_131] : memref<10240x16xf32, #tpu.memory_space<vmem_shared>> -> memref<10240x16xf32, #tpu.memory_space<vmem_shared>>
      tpu.enqueue_indirect_dma source(%arg14 : memref<16x16xf32, #tpu.memory_space<vmem>>) target(%dma_start3A_132 : memref<10240x16xf32, #tpu.memory_space<vmem_shared>>) offsets(%get3A_123 : vector<16xi32>) semaphore(%arg27 : memref<!tpu.dma_semaphore, #tpu.memory_space<semaphore_mem>>) {add = true}
      %add3A_133 = arith.constant 32 : i32
      %add3A_134 = arith.addi %mul3A_75, %add3A_133 : i32
      %add3A_135 = arith.constant 16 : i32
      %add3A_136 = arith.addi %add3A_134, %add3A_135 : i32
      %get3A_137 = arith.index_cast %add3A_136 : i32 to index
      %get3A_138 = tpu.vector_load %arg13[%get3A_137] {strides = array<i32>} : memref<10112xi32, #tpu.memory_space<vmem>>, vector<16xi32>,
      %get3A_139 = vector.shape_cast %get3A_138 : vector<16xi32> to vector<16xi32>
      %dma_start3A_140 = arith.constant 16 : i32
      %dma_start3A_141 = arith.constant 0 : i32
      %dma_start3A_142 = tpu.memref_slice %arg16[%dma_start3A_140, %dma_start3A_141] : memref<32x128xf32, #tpu.memory_space<vmem>> -> memref<16x128xf32, #tpu.memory_space<vmem>>
      %dma_start3A_143 = arith.constant 0 : i32
      %dma_start3A_144 = arith.constant 0 : i32
      %dma_start3A_145 = tpu.memref_slice %arg10[%dma_start3A_143, %dma_start3A_144] : memref<10240x128xf32, #tpu.memory_space<vmem_shared>> -> memref<10240x128xf32, #tpu.memory_space<vmem_shared>>
      tpu.enqueue_indirect_dma source(%dma_start3A_142 : memref<16x128xf32, #tpu.memory_space<vmem>>) target(%dma_start3A_145 : memref<10240x128xf32, #tpu.memory_space<vmem_shared>>) offsets(%get3A_139 : vector<16xi32>) semaphore(%arg24 : memref<!tpu.dma_semaphore, #tpu.memory_space<semaphore_mem>>) {add = true}
      %dma_start3A_146 = arith.constant 0 : i32
      %dma_start3A_147 = arith.constant 0 : i32
      %dma_start3A_148 = tpu.memref_slice %arg11[%dma_start3A_146, %dma_start3A_147] : memref<10240x16xf32, #tpu.memory_space<vmem_shared>> -> memref<10240x16xf32, #tpu.memory_space<vmem_shared>>
      tpu.enqueue_indirect_dma source(%arg14 : memref<16x16xf32, #tpu.memory_space<vmem>>) target(%dma_start3A_148 : memref<10240x16xf32, #tpu.memory_space<vmem_shared>>) offsets(%get3A_139 : vector<16xi32>) semaphore(%arg27 : memref<!tpu.dma_semaphore, #tpu.memory_space<semaphore_mem>>) {add = true}
      %add3A_149 = arith.constant 64 : i32
      %add3A_150 = arith.addi %mul3A_75, %add3A_149 : i32
      %dma_wait3A_151 = tpu.memref_slice %arg12[%add3A_150] : memref<10112xi32, #tpu.memory_space<vmem>> -> memref<32xi32, #tpu.memory_space<vmem>>
      %dma_wait3A_152 = arith.constant 0 : i32
      %dma_wait3A_153 = arith.constant 0 : i32
      %dma_wait3A_154 = tpu.memref_slice %arg2[%dma_wait3A_152, %dma_wait3A_153] : memref<20000x128xf32, #tpu.memory_space<hbm>> -> memref<20000x128xf32, #tpu.memory_space<hbm>>
      tpu.wait_indirect_dma semaphore(%arg21 : memref<!tpu.dma_semaphore, #tpu.memory_space<semaphore_mem>>) src(%dma_wait3A_154 : memref<20000x128xf32, #tpu.memory_space<hbm>>) dst(%arg17 : memref<32x128xf32, #tpu.memory_space<vmem>>)
      %add3A_155 = arith.constant 64 : i32
      %add3A_156 = arith.addi %mul3A_75, %add3A_155 : i32
      %add3A_157 = arith.constant 0 : i32
      %add3A_158 = arith.addi %add3A_156, %add3A_157 : i32
      %get3A_159 = arith.index_cast %add3A_158 : i32 to index
      %get3A_160 = tpu.vector_load %arg13[%get3A_159] {strides = array<i32>} : memref<10112xi32, #tpu.memory_space<vmem>>, vector<16xi32>,
      %get3A_161 = vector.shape_cast %get3A_160 : vector<16xi32> to vector<16xi32>
      %dma_start3A_162 = arith.constant 0 : i32
      %dma_start3A_163 = arith.constant 0 : i32
      %dma_start3A_164 = tpu.memref_slice %arg17[%dma_start3A_162, %dma_start3A_163] : memref<32x128xf32, #tpu.memory_space<vmem>> -> memref<16x128xf32, #tpu.memory_space<vmem>>
      %dma_start3A_165 = arith.constant 0 : i32
      %dma_start3A_166 = arith.constant 0 : i32
      %dma_start3A_167 = tpu.memref_slice %arg10[%dma_start3A_165, %dma_start3A_166] : memref<10240x128xf32, #tpu.memory_space<vmem_shared>> -> memref<10240x128xf32, #tpu.memory_space<vmem_shared>>
      tpu.enqueue_indirect_dma source(%dma_start3A_164 : memref<16x128xf32, #tpu.memory_space<vmem>>) target(%dma_start3A_167 : memref<10240x128xf32, #tpu.memory_space<vmem_shared>>) offsets(%get3A_161 : vector<16xi32>) semaphore(%arg25 : memref<!tpu.dma_semaphore, #tpu.memory_space<semaphore_mem>>) {add = true}
      %dma_start3A_168 = arith.constant 0 : i32
      %dma_start3A_169 = arith.constant 0 : i32
      %dma_start3A_170 = tpu.memref_slice %arg11[%dma_start3A_168, %dma_start3A_169] : memref<10240x16xf32, #tpu.memory_space<vmem_shared>> -> memref<10240x16xf32, #tpu.memory_space<vmem_shared>>
      tpu.enqueue_indirect_dma source(%arg14 : memref<16x16xf32, #tpu.memory_space<vmem>>) target(%dma_start3A_170 : memref<10240x16xf32, #tpu.memory_space<vmem_shared>>) offsets(%get3A_161 : vector<16xi32>) semaphore(%arg27 : memref<!tpu.dma_semaphore, #tpu.memory_space<semaphore_mem>>) {add = true}
      %add3A_171 = arith.constant 64 : i32
      %add3A_172 = arith.addi %mul3A_75, %add3A_171 : i32
      %add3A_173 = arith.constant 16 : i32
      %add3A_174 = arith.addi %add3A_172, %add3A_173 : i32
      %get3A_175 = arith.index_cast %add3A_174 : i32 to index
      %get3A_176 = tpu.vector_load %arg13[%get3A_175] {strides = array<i32>} : memref<10112xi32, #tpu.memory_space<vmem>>, vector<16xi32>,
      %get3A_177 = vector.shape_cast %get3A_176 : vector<16xi32> to vector<16xi32>
      %dma_start3A_178 = arith.constant 16 : i32
      %dma_start3A_179 = arith.constant 0 : i32
      %dma_start3A_180 = tpu.memref_slice %arg17[%dma_start3A_178, %dma_start3A_179] : memref<32x128xf32, #tpu.memory_space<vmem>> -> memref<16x128xf32, #tpu.memory_space<vmem>>
      %dma_start3A_181 = arith.constant 0 : i32
      %dma_start3A_182 = arith.constant 0 : i32
      %dma_start3A_183 = tpu.memref_slice %arg10[%dma_start3A_181, %dma_start3A_182] : memref<10240x128xf32, #tpu.memory_space<vmem_shared>> -> memref<10240x128xf32, #tpu.memory_space<vmem_shared>>
      tpu.enqueue_indirect_dma source(%dma_start3A_180 : memref<16x128xf32, #tpu.memory_space<vmem>>) target(%dma_start3A_183 : memref<10240x128xf32, #tpu.memory_space<vmem_shared>>) offsets(%get3A_177 : vector<16xi32>) semaphore(%arg25 : memref<!tpu.dma_semaphore, #tpu.memory_space<semaphore_mem>>) {add = true}
      %dma_start3A_184 = arith.constant 0 : i32
      %dma_start3A_185 = arith.constant 0 : i32
      %dma_start3A_186 = tpu.memref_slice %arg11[%dma_start3A_184, %dma_start3A_185] : memref<10240x16xf32, #tpu.memory_space<vmem_shared>> -> memref<10240x16xf32, #tpu.memory_space<vmem_shared>>
      tpu.enqueue_indirect_dma source(%arg14 : memref<16x16xf32, #tpu.memory_space<vmem>>) target(%dma_start3A_186 : memref<10240x16xf32, #tpu.memory_space<vmem_shared>>) offsets(%get3A_177 : vector<16xi32>) semaphore(%arg27 : memref<!tpu.dma_semaphore, #tpu.memory_space<semaphore_mem>>) {add = true}
      %add3A_187 = arith.constant 96 : i32
      %add3A_188 = arith.addi %mul3A_75, %add3A_187 : i32
      %dma_wait3A_189 = tpu.memref_slice %arg12[%add3A_188] : memref<10112xi32, #tpu.memory_space<vmem>> -> memref<32xi32, #tpu.memory_space<vmem>>
      %dma_wait3A_190 = arith.constant 0 : i32
      %dma_wait3A_191 = arith.constant 0 : i32
      %dma_wait3A_192 = tpu.memref_slice %arg2[%dma_wait3A_190, %dma_wait3A_191] : memref<20000x128xf32, #tpu.memory_space<hbm>> -> memref<20000x128xf32, #tpu.memory_space<hbm>>
      tpu.wait_indirect_dma semaphore(%arg22 : memref<!tpu.dma_semaphore, #tpu.memory_space<semaphore_mem>>) src(%dma_wait3A_192 : memref<20000x128xf32, #tpu.memory_space<hbm>>) dst(%arg18 : memref<32x128xf32, #tpu.memory_space<vmem>>)
      %add3A_193 = arith.constant 96 : i32
      %add3A_194 = arith.addi %mul3A_75, %add3A_193 : i32
      %add3A_195 = arith.constant 0 : i32
      %add3A_196 = arith.addi %add3A_194, %add3A_195 : i32
      %get3A_197 = arith.index_cast %add3A_196 : i32 to index
      %get3A_198 = tpu.vector_load %arg13[%get3A_197] {strides = array<i32>} : memref<10112xi32, #tpu.memory_space<vmem>>, vector<16xi32>,
      %get3A_199 = vector.shape_cast %get3A_198 : vector<16xi32> to vector<16xi32>
      %dma_start3A_200 = arith.constant 0 : i32
      %dma_start3A_201 = arith.constant 0 : i32
      %dma_start3A_202 = tpu.memref_slice %arg18[%dma_start3A_200, %dma_start3A_201] : memref<32x128xf32, #tpu.memory_space<vmem>> -> memref<16x128xf32, #tpu.memory_space<vmem>>
      %dma_start3A_203 = arith.constant 0 : i32
      %dma_start3A_204 = arith.constant 0 : i32
      %dma_start3A_205 = tpu.memref_slice %arg10[%dma_start3A_203, %dma_start3A_204] : memref<10240x128xf32, #tpu.memory_space<vmem_shared>> -> memref<10240x128xf32, #tpu.memory_space<vmem_shared>>
      tpu.enqueue_indirect_dma source(%dma_start3A_202 : memref<16x128xf32, #tpu.memory_space<vmem>>) target(%dma_start3A_205 : memref<10240x128xf32, #tpu.memory_space<vmem_shared>>) offsets(%get3A_199 : vector<16xi32>) semaphore(%arg26 : memref<!tpu.dma_semaphore, #tpu.memory_space<semaphore_mem>>) {add = true}
      %dma_start3A_206 = arith.constant 0 : i32
      %dma_start3A_207 = arith.constant 0 : i32
      %dma_start3A_208 = tpu.memref_slice %arg11[%dma_start3A_206, %dma_start3A_207] : memref<10240x16xf32, #tpu.memory_space<vmem_shared>> -> memref<10240x16xf32, #tpu.memory_space<vmem_shared>>
      tpu.enqueue_indirect_dma source(%arg14 : memref<16x16xf32, #tpu.memory_space<vmem>>) target(%dma_start3A_208 : memref<10240x16xf32, #tpu.memory_space<vmem_shared>>) offsets(%get3A_199 : vector<16xi32>) semaphore(%arg27 : memref<!tpu.dma_semaphore, #tpu.memory_space<semaphore_mem>>) {add = true}
      %add3A_209 = arith.constant 96 : i32
      %add3A_210 = arith.addi %mul3A_75, %add3A_209 : i32
      %add3A_211 = arith.constant 16 : i32
      %add3A_212 = arith.addi %add3A_210, %add3A_211 : i32
      %get3A_213 = arith.index_cast %add3A_212 : i32 to index
      %get3A_214 = tpu.vector_load %arg13[%get3A_213] {strides = array<i32>} : memref<10112xi32, #tpu.memory_space<vmem>>, vector<16xi32>,
      %get3A_215 = vector.shape_cast %get3A_214 : vector<16xi32> to vector<16xi32>
      %dma_start3A_216 = arith.constant 16 : i32
      %dma_start3A_217 = arith.constant 0 : i32
      %dma_start3A_218 = tpu.memref_slice %arg18[%dma_start3A_216, %dma_start3A_217] : memref<32x128xf32, #tpu.memory_space<vmem>> -> memref<16x128xf32, #tpu.memory_space<vmem>>
      %dma_start3A_219 = arith.constant 0 : i32
      %dma_start3A_220 = arith.constant 0 : i32
      %dma_start3A_221 = tpu.memref_slice %arg10[%dma_start3A_219, %dma_start3A_220] : memref<10240x128xf32, #tpu.memory_space<vmem_shared>> -> memref<10240x128xf32, #tpu.memory_space<vmem_shared>>
      tpu.enqueue_indirect_dma source(%dma_start3A_218 : memref<16x128xf32, #tpu.memory_space<vmem>>) target(%dma_start3A_221 : memref<10240x128xf32, #tpu.memory_space<vmem_shared>>) offsets(%get3A_215 : vector<16xi32>) semaphore(%arg26 : memref<!tpu.dma_semaphore, #tpu.memory_space<semaphore_mem>>) {add = true}
      %dma_start3A_222 = arith.constant 0 : i32
      %dma_start3A_223 = arith.constant 0 : i32
      %dma_start3A_224 = tpu.memref_slice %arg11[%dma_start3A_222, %dma_start3A_223] : memref<10240x16xf32, #tpu.memory_space<vmem_shared>> -> memref<10240x16xf32, #tpu.memory_space<vmem_shared>>
      tpu.enqueue_indirect_dma source(%arg14 : memref<16x16xf32, #tpu.memory_space<vmem>>) target(%dma_start3A_224 : memref<10240x16xf32, #tpu.memory_space<vmem_shared>>) offsets(%get3A_215 : vector<16xi32>) semaphore(%arg27 : memref<!tpu.dma_semaphore, #tpu.memory_space<semaphore_mem>>) {add = true}
      %dma_wait3A_225 = arith.constant 0 : i32
      %dma_wait3A_226 = arith.constant 0 : i32
      %dma_wait3A_227 = tpu.memref_slice %arg15[%dma_wait3A_225, %dma_wait3A_226] : memref<32x128xf32, #tpu.memory_space<vmem>> -> memref<16x128xf32, #tpu.memory_space<vmem>>
      %dma_wait3A_228 = arith.constant 0 : i32
      %dma_wait3A_229 = arith.constant 0 : i32
      %dma_wait3A_230 = tpu.memref_slice %arg10[%dma_wait3A_228, %dma_wait3A_229] : memref<10240x128xf32, #tpu.memory_space<vmem_shared>> -> memref<10240x128xf32, #tpu.memory_space<vmem_shared>>
      tpu.wait_indirect_dma semaphore(%arg23 : memref<!tpu.dma_semaphore, #tpu.memory_space<semaphore_mem>>) src(%dma_wait3A_227 : memref<16x128xf32, #tpu.memory_space<vmem>>) dst(%dma_wait3A_230 : memref<10240x128xf32, #tpu.memory_space<vmem_shared>>)
      %dma_wait3A_231 = arith.constant 16 : i32
      %dma_wait3A_232 = arith.constant 0 : i32
      %dma_wait3A_233 = tpu.memref_slice %arg15[%dma_wait3A_231, %dma_wait3A_232] : memref<32x128xf32, #tpu.memory_space<vmem>> -> memref<16x128xf32, #tpu.memory_space<vmem>>
      %dma_wait3A_234 = arith.constant 0 : i32
      %dma_wait3A_235 = arith.constant 0 : i32
      %dma_wait3A_236 = tpu.memref_slice %arg10[%dma_wait3A_234, %dma_wait3A_235] : memref<10240x128xf32, #tpu.memory_space<vmem_shared>> -> memref<10240x128xf32, #tpu.memory_space<vmem_shared>>
      tpu.wait_indirect_dma semaphore(%arg23 : memref<!tpu.dma_semaphore, #tpu.memory_space<semaphore_mem>>) src(%dma_wait3A_233 : memref<16x128xf32, #tpu.memory_space<vmem>>) dst(%dma_wait3A_236 : memref<10240x128xf32, #tpu.memory_space<vmem_shared>>)
      %lt3A = arith.constant 78 : i32
      %lt3A_237 = arith.cmpi slt, %scan3A_73, %lt3A : i32
      %convert_element_type3A = arith.extui %lt3A_237 : i1 to i32
      %cond3A = arith.constant 0 : i32
      %cond3A_238 = arith.cmpi ne, %convert_element_type3A, %cond3A : i32
      scf.if %cond3A_238 {
        %add3A_290 = arith.constant 128 : i32
        %add3A_291 = arith.addi %mul3A_75, %add3A_290 : i32
        %dma_start3A_292 = tpu.memref_slice %arg12[%add3A_291] : memref<10112xi32, #tpu.memory_space<vmem>> -> memref<32xi32, #tpu.memory_space<vmem>>
        %dma_start3A_293 = arith.constant 0 : i32
        %dma_start3A_294 = arith.constant 0 : i32
        %dma_start3A_295 = tpu.memref_slice %arg2[%dma_start3A_293, %dma_start3A_294] : memref<20000x128xf32, #tpu.memory_space<hbm>> -> memref<20000x128xf32, #tpu.memory_space<hbm>>
        tpu.enqueue_indirect_dma source(%dma_start3A_295 : memref<20000x128xf32, #tpu.memory_space<hbm>>) target(%arg15 : memref<32x128xf32, #tpu.memory_space<vmem>>) offsets(%dma_start3A_292 : memref<32xi32, #tpu.memory_space<vmem>>) semaphore(%arg19 : memref<!tpu.dma_semaphore, #tpu.memory_space<semaphore_mem>>)
      } else {
      }
      %dma_wait3A_239 = arith.constant 0 : i32
      %dma_wait3A_240 = arith.constant 0 : i32
      %dma_wait3A_241 = tpu.memref_slice %arg16[%dma_wait3A_239, %dma_wait3A_240] : memref<32x128xf32, #tpu.memory_space<vmem>> -> memref<16x128xf32, #tpu.memory_space<vmem>>
      %dma_wait3A_242 = arith.constant 0 : i32
      %dma_wait3A_243 = arith.constant 0 : i32
      %dma_wait3A_244 = tpu.memref_slice %arg10[%dma_wait3A_242, %dma_wait3A_243] : memref<10240x128xf32, #tpu.memory_space<vmem_shared>> -> memref<10240x128xf32, #tpu.memory_space<vmem_shared>>
      tpu.wait_indirect_dma semaphore(%arg24 : memref<!tpu.dma_semaphore, #tpu.memory_space<semaphore_mem>>) src(%dma_wait3A_241 : memref<16x128xf32, #tpu.memory_space<vmem>>) dst(%dma_wait3A_244 : memref<10240x128xf32, #tpu.memory_space<vmem_shared>>)
      %dma_wait3A_245 = arith.constant 16 : i32
      %dma_wait3A_246 = arith.constant 0 : i32
      %dma_wait3A_247 = tpu.memref_slice %arg16[%dma_wait3A_245, %dma_wait3A_246] : memref<32x128xf32, #tpu.memory_space<vmem>> -> memref<16x128xf32, #tpu.memory_space<vmem>>
      %dma_wait3A_248 = arith.constant 0 : i32
      %dma_wait3A_249 = arith.constant 0 : i32
      %dma_wait3A_250 = tpu.memref_slice %arg10[%dma_wait3A_248, %dma_wait3A_249] : memref<10240x128xf32, #tpu.memory_space<vmem_shared>> -> memref<10240x128xf32, #tpu.memory_space<vmem_shared>>
      tpu.wait_indirect_dma semaphore(%arg24 : memref<!tpu.dma_semaphore, #tpu.memory_space<semaphore_mem>>) src(%dma_wait3A_247 : memref<16x128xf32, #tpu.memory_space<vmem>>) dst(%dma_wait3A_250 : memref<10240x128xf32, #tpu.memory_space<vmem_shared>>)
      %lt3A_251 = arith.constant 78 : i32
      %lt3A_252 = arith.cmpi slt, %scan3A_73, %lt3A_251 : i32
      %convert_element_type3A_253 = arith.extui %lt3A_252 : i1 to i32
      %cond3A_254 = arith.constant 0 : i32
      %cond3A_255 = arith.cmpi ne, %convert_element_type3A_253, %cond3A_254 : i32
      scf.if %cond3A_255 {
        %add3A_290 = arith.constant 160 : i32
        %add3A_291 = arith.addi %mul3A_75, %add3A_290 : i32
        %dma_start3A_292 = tpu.memref_slice %arg12[%add3A_291] : memref<10112xi32, #tpu.memory_space<vmem>> -> memref<32xi32, #tpu.memory_space<vmem>>
        %dma_start3A_293 = arith.constant 0 : i32
        %dma_start3A_294 = arith.constant 0 : i32
        %dma_start3A_295 = tpu.memref_slice %arg2[%dma_start3A_293, %dma_start3A_294] : memref<20000x128xf32, #tpu.memory_space<hbm>> -> memref<20000x128xf32, #tpu.memory_space<hbm>>
        tpu.enqueue_indirect_dma source(%dma_start3A_295 : memref<20000x128xf32, #tpu.memory_space<hbm>>) target(%arg16 : memref<32x128xf32, #tpu.memory_space<vmem>>) offsets(%dma_start3A_292 : memref<32xi32, #tpu.memory_space<vmem>>) semaphore(%arg20 : memref<!tpu.dma_semaphore, #tpu.memory_space<semaphore_mem>>)
      } else {
      }
      %dma_wait3A_256 = arith.constant 0 : i32
      %dma_wait3A_257 = arith.constant 0 : i32
      %dma_wait3A_258 = tpu.memref_slice %arg17[%dma_wait3A_256, %dma_wait3A_257] : memref<32x128xf32, #tpu.memory_space<vmem>> -> memref<16x128xf32, #tpu.memory_space<vmem>>
      %dma_wait3A_259 = arith.constant 0 : i32
      %dma_wait3A_260 = arith.constant 0 : i32
      %dma_wait3A_261 = tpu.memref_slice %arg10[%dma_wait3A_259, %dma_wait3A_260] : memref<10240x128xf32, #tpu.memory_space<vmem_shared>> -> memref<10240x128xf32, #tpu.memory_space<vmem_shared>>
      tpu.wait_indirect_dma semaphore(%arg25 : memref<!tpu.dma_semaphore, #tpu.memory_space<semaphore_mem>>) src(%dma_wait3A_258 : memref<16x128xf32, #tpu.memory_space<vmem>>) dst(%dma_wait3A_261 : memref<10240x128xf32, #tpu.memory_space<vmem_shared>>)
      %dma_wait3A_262 = arith.constant 16 : i32
      %dma_wait3A_263 = arith.constant 0 : i32
      %dma_wait3A_264 = tpu.memref_slice %arg17[%dma_wait3A_262, %dma_wait3A_263] : memref<32x128xf32, #tpu.memory_space<vmem>> -> memref<16x128xf32, #tpu.memory_space<vmem>>
      %dma_wait3A_265 = arith.constant 0 : i32
      %dma_wait3A_266 = arith.constant 0 : i32
      %dma_wait3A_267 = tpu.memref_slice %arg10[%dma_wait3A_265, %dma_wait3A_266] : memref<10240x128xf32, #tpu.memory_space<vmem_shared>> -> memref<10240x128xf32, #tpu.memory_space<vmem_shared>>
      tpu.wait_indirect_dma semaphore(%arg25 : memref<!tpu.dma_semaphore, #tpu.memory_space<semaphore_mem>>) src(%dma_wait3A_264 : memref<16x128xf32, #tpu.memory_space<vmem>>) dst(%dma_wait3A_267 : memref<10240x128xf32, #tpu.memory_space<vmem_shared>>)
      %lt3A_268 = arith.constant 78 : i32
      %lt3A_269 = arith.cmpi slt, %scan3A_73, %lt3A_268 : i32
      %convert_element_type3A_270 = arith.extui %lt3A_269 : i1 to i32
      %cond3A_271 = arith.constant 0 : i32
      %cond3A_272 = arith.cmpi ne, %convert_element_type3A_270, %cond3A_271 : i32
      scf.if %cond3A_272 {
        %add3A_290 = arith.constant 192 : i32
        %add3A_291 = arith.addi %mul3A_75, %add3A_290 : i32
        %dma_start3A_292 = tpu.memref_slice %arg12[%add3A_291] : memref<10112xi32, #tpu.memory_space<vmem>> -> memref<32xi32, #tpu.memory_space<vmem>>
        %dma_start3A_293 = arith.constant 0 : i32
        %dma_start3A_294 = arith.constant 0 : i32
        %dma_start3A_295 = tpu.memref_slice %arg2[%dma_start3A_293, %dma_start3A_294] : memref<20000x128xf32, #tpu.memory_space<hbm>> -> memref<20000x128xf32, #tpu.memory_space<hbm>>
        tpu.enqueue_indirect_dma source(%dma_start3A_295 : memref<20000x128xf32, #tpu.memory_space<hbm>>) target(%arg17 : memref<32x128xf32, #tpu.memory_space<vmem>>) offsets(%dma_start3A_292 : memref<32xi32, #tpu.memory_space<vmem>>) semaphore(%arg21 : memref<!tpu.dma_semaphore, #tpu.memory_space<semaphore_mem>>)
      } else {
      }
      %dma_wait3A_273 = arith.constant 0 : i32
      %dma_wait3A_274 = arith.constant 0 : i32
      %dma_wait3A_275 = tpu.memref_slice %arg18[%dma_wait3A_273, %dma_wait3A_274] : memref<32x128xf32, #tpu.memory_space<vmem>> -> memref<16x128xf32, #tpu.memory_space<vmem>>
      %dma_wait3A_276 = arith.constant 0 : i32
      %dma_wait3A_277 = arith.constant 0 : i32
      %dma_wait3A_278 = tpu.memref_slice %arg10[%dma_wait3A_276, %dma_wait3A_277] : memref<10240x128xf32, #tpu.memory_space<vmem_shared>> -> memref<10240x128xf32, #tpu.memory_space<vmem_shared>>
      tpu.wait_indirect_dma semaphore(%arg26 : memref<!tpu.dma_semaphore, #tpu.memory_space<semaphore_mem>>) src(%dma_wait3A_275 : memref<16x128xf32, #tpu.memory_space<vmem>>) dst(%dma_wait3A_278 : memref<10240x128xf32, #tpu.memory_space<vmem_shared>>)
      %dma_wait3A_279 = arith.constant 16 : i32
      %dma_wait3A_280 = arith.constant 0 : i32
      %dma_wait3A_281 = tpu.memref_slice %arg18[%dma_wait3A_279, %dma_wait3A_280] : memref<32x128xf32, #tpu.memory_space<vmem>> -> memref<16x128xf32, #tpu.memory_space<vmem>>
      %dma_wait3A_282 = arith.constant 0 : i32
      %dma_wait3A_283 = arith.constant 0 : i32
      %dma_wait3A_284 = tpu.memref_slice %arg10[%dma_wait3A_282, %dma_wait3A_283] : memref<10240x128xf32, #tpu.memory_space<vmem_shared>> -> memref<10240x128xf32, #tpu.memory_space<vmem_shared>>
      tpu.wait_indirect_dma semaphore(%arg26 : memref<!tpu.dma_semaphore, #tpu.memory_space<semaphore_mem>>) src(%dma_wait3A_281 : memref<16x128xf32, #tpu.memory_space<vmem>>) dst(%dma_wait3A_284 : memref<10240x128xf32, #tpu.memory_space<vmem_shared>>)
      %lt3A_285 = arith.constant 78 : i32
      %lt3A_286 = arith.cmpi slt, %scan3A_73, %lt3A_285 : i32
      %convert_element_type3A_287 = arith.extui %lt3A_286 : i1 to i32
      %cond3A_288 = arith.constant 0 : i32
      %cond3A_289 = arith.cmpi ne, %convert_element_type3A_287, %cond3A_288 : i32
      scf.if %cond3A_289 {
        %add3A_290 = arith.constant 224 : i32
        %add3A_291 = arith.addi %mul3A_75, %add3A_290 : i32
        %dma_start3A_292 = tpu.memref_slice %arg12[%add3A_291] : memref<10112xi32, #tpu.memory_space<vmem>> -> memref<32xi32, #tpu.memory_space<vmem>>
        %dma_start3A_293 = arith.constant 0 : i32
        %dma_start3A_294 = arith.constant 0 : i32
        %dma_start3A_295 = tpu.memref_slice %arg2[%dma_start3A_293, %dma_start3A_294] : memref<20000x128xf32, #tpu.memory_space<hbm>> -> memref<20000x128xf32, #tpu.memory_space<hbm>>
        tpu.enqueue_indirect_dma source(%dma_start3A_295 : memref<20000x128xf32, #tpu.memory_space<hbm>>) target(%arg18 : memref<32x128xf32, #tpu.memory_space<vmem>>) offsets(%dma_start3A_292 : memref<32xi32, #tpu.memory_space<vmem>>) semaphore(%arg22 : memref<!tpu.dma_semaphore, #tpu.memory_space<semaphore_mem>>)
      } else {
      }
    }
    %scan3A_25 = arith.constant 79 : i32
    %scan3A_26 = arith.constant 0 : i32
    %scan3A_27 = arith.constant 0 : i32
    %scan3A_28 = arith.constant 632 : i32
    %scan3A_29 = arith.addi %scan3A_27, %scan3A_28 : i32
    %scan3A_30 = arith.constant 1 : i32
    scf.for %scan3A_73 = %scan3A_27 to %scan3A_29 step %scan3A_30  : i32 {
      tpu.wait_dma2 semaphore(%arg27 : memref<!tpu.dma_semaphore, #tpu.memory_space<semaphore_mem>>) src(%arg7 : memref<16x16xf32, #tpu.memory_space<hbm>>) dst(%arg14 : memref<16x16xf32, #tpu.memory_space<vmem>>)
    }
    %scan3A_31 = arith.constant 632 : i32
    %barrier3A_32 = arith.constant 0 : index
    tpu.barrier barrier_id(%barrier3A_32)
    %run_scoped3A_33 = arith.constant 0 : i32
    "tpu.region"() ({
      %run_scoped3A_73 = tpu.sem_alloc : memref<!tpu.dma_semaphore, #tpu.memory_space<semaphore_mem>>
      %dma_start3A_74 = arith.constant 0 : i32
      %dma_start3A_75 = tpu.memref_slice %arg8[%run_scoped3A_33, %arg0, %multiple_of3A, %dma_start3A_74] : memref<2x2x10240x128xf32, #tpu.memory_space<hbm>> -> memref<1x1x640x128xf32, #tpu.memory_space<hbm>>
      %dma_start3A_76 = tpu.memref_squeeze %dma_start3A_75 : memref<1x1x640x128xf32, #tpu.memory_space<hbm>> -> memref<640x128xf32, #tpu.memory_space<hbm>>
      %dma_start3A_77 = arith.constant 0 : i32
      %dma_start3A_78 = tpu.memref_slice %arg10[%multiple_of3A, %dma_start3A_77] : memref<10240x128xf32, #tpu.memory_space<vmem_shared>> -> memref<640x128xf32, #tpu.memory_space<vmem_shared>>
      tpu.enqueue_dma source(%dma_start3A_78 : memref<640x128xf32, #tpu.memory_space<vmem_shared>>) target(%dma_start3A_76 : memref<640x128xf32, #tpu.memory_space<hbm>>) target_semaphore(%run_scoped3A_73 : memref<!tpu.dma_semaphore, #tpu.memory_space<semaphore_mem>>)
      %dma_wait3A = arith.constant 0 : i32
      %dma_wait3A_79 = tpu.memref_slice %arg8[%run_scoped3A_33, %arg0, %multiple_of3A, %dma_wait3A] : memref<2x2x10240x128xf32, #tpu.memory_space<hbm>> -> memref<1x1x640x128xf32, #tpu.memory_space<hbm>>
      %dma_wait3A_80 = tpu.memref_squeeze %dma_wait3A_79 : memref<1x1x640x128xf32, #tpu.memory_space<hbm>> -> memref<640x128xf32, #tpu.memory_space<hbm>>
      %dma_wait3A_81 = arith.constant 0 : i32
      %dma_wait3A_82 = tpu.memref_slice %arg10[%multiple_of3A, %dma_wait3A_81] : memref<10240x128xf32, #tpu.memory_space<vmem_shared>> -> memref<640x128xf32, #tpu.memory_space<vmem_shared>>
      tpu.wait_dma2 semaphore(%run_scoped3A_73 : memref<!tpu.dma_semaphore, #tpu.memory_space<semaphore_mem>>) src(%dma_wait3A_82 : memref<640x128xf32, #tpu.memory_space<vmem_shared>>) dst(%dma_wait3A_80 : memref<640x128xf32, #tpu.memory_space<hbm>>)
      tpu.yield
    }) : () -> ()
    %run_scoped3A_34 = arith.constant 0 : i32
    "tpu.region"() ({
      %run_scoped3A_73 = tpu.sem_alloc : memref<!tpu.dma_semaphore, #tpu.memory_space<semaphore_mem>>
      %dma_start3A_74 = arith.constant 0 : i32
      %dma_start3A_75 = tpu.memref_slice %arg9[%run_scoped3A_34, %arg0, %multiple_of3A, %dma_start3A_74] : memref<2x2x10240x16xf32, #tpu.memory_space<hbm>> -> memref<1x1x640x16xf32, #tpu.memory_space<hbm>>
      %dma_start3A_76 = tpu.memref_squeeze %dma_start3A_75 : memref<1x1x640x16xf32, #tpu.memory_space<hbm>> -> memref<640x16xf32, #tpu.memory_space<hbm>>
      %dma_start3A_77 = arith.constant 0 : i32
      %dma_start3A_78 = tpu.memref_slice %arg11[%multiple_of3A, %dma_start3A_77] : memref<10240x16xf32, #tpu.memory_space<vmem_shared>> -> memref<640x16xf32, #tpu.memory_space<vmem_shared>>
      tpu.enqueue_dma source(%dma_start3A_78 : memref<640x16xf32, #tpu.memory_space<vmem_shared>>) target(%dma_start3A_76 : memref<640x16xf32, #tpu.memory_space<hbm>>) target_semaphore(%run_scoped3A_73 : memref<!tpu.dma_semaphore, #tpu.memory_space<semaphore_mem>>)
      %dma_wait3A = arith.constant 0 : i32
      %dma_wait3A_79 = tpu.memref_slice %arg9[%run_scoped3A_34, %arg0, %multiple_of3A, %dma_wait3A] : memref<2x2x10240x16xf32, #tpu.memory_space<hbm>> -> memref<1x1x640x16xf32, #tpu.memory_space<hbm>>
      %dma_wait3A_80 = tpu.memref_squeeze %dma_wait3A_79 : memref<1x1x640x16xf32, #tpu.memory_space<hbm>> -> memref<640x16xf32, #tpu.memory_space<hbm>>
      %dma_wait3A_81 = arith.constant 0 : i32
      %dma_wait3A_82 = tpu.memref_slice %arg11[%multiple_of3A, %dma_wait3A_81] : memref<10240x16xf32, #tpu.memory_space<vmem_shared>> -> memref<640x16xf32, #tpu.memory_space<vmem_shared>>
      tpu.wait_dma2 semaphore(%run_scoped3A_73 : memref<!tpu.dma_semaphore, #tpu.memory_space<semaphore_mem>>) src(%dma_wait3A_82 : memref<640x16xf32, #tpu.memory_space<vmem_shared>>) dst(%dma_wait3A_80 : memref<640x16xf32, #tpu.memory_space<hbm>>)
      tpu.yield
    }) : () -> ()
    "tpu.region"() ({
      %run_scoped3A_73 = tpu.sem_alloc : memref<!tpu.dma_semaphore, #tpu.memory_space<semaphore_mem>>
      %dma_start3A_74 = arith.constant 0 : i32
      %dma_start3A_75 = tpu.memref_slice %arg10[%multiple_of3A, %dma_start3A_74] : memref<10240x128xf32, #tpu.memory_space<vmem_shared>> -> memref<640x128xf32, #tpu.memory_space<vmem_shared>>
      %dma_start3A_76 = arith.constant 0 : i32
      %dma_start3A_77 = arith.constant 0 : i32
      %dma_start3A_78 = tpu.memref_slice %arg5[%dma_start3A_76, %dma_start3A_77] : memref<640x128xf32, #tpu.memory_space<hbm>> -> memref<640x128xf32, #tpu.memory_space<hbm>>
      tpu.enqueue_dma source(%dma_start3A_78 : memref<640x128xf32, #tpu.memory_space<hbm>>) target(%dma_start3A_75 : memref<640x128xf32, #tpu.memory_space<vmem_shared>>) target_semaphore(%run_scoped3A_73 : memref<!tpu.dma_semaphore, #tpu.memory_space<semaphore_mem>>)
      %dma_wait3A = arith.constant 0 : i32
      %dma_wait3A_79 = tpu.memref_slice %arg10[%multiple_of3A, %dma_wait3A] : memref<10240x128xf32, #tpu.memory_space<vmem_shared>> -> memref<640x128xf32, #tpu.memory_space<vmem_shared>>
      %dma_wait3A_80 = arith.constant 0 : i32
      %dma_wait3A_81 = arith.constant 0 : i32
      %dma_wait3A_82 = tpu.memref_slice %arg5[%dma_wait3A_80, %dma_wait3A_81] : memref<640x128xf32, #tpu.memory_space<hbm>> -> memref<640x128xf32, #tpu.memory_space<hbm>>
      tpu.wait_dma2 semaphore(%run_scoped3A_73 : memref<!tpu.dma_semaphore, #tpu.memory_space<semaphore_mem>>) src(%dma_wait3A_82 : memref<640x128xf32, #tpu.memory_space<hbm>>) dst(%dma_wait3A_79 : memref<640x128xf32, #tpu.memory_space<vmem_shared>>)
      tpu.yield
    }) : () -> ()
    "tpu.region"() ({
      %run_scoped3A_73 = tpu.sem_alloc : memref<!tpu.dma_semaphore, #tpu.memory_space<semaphore_mem>>
      %dma_start3A_74 = arith.constant 0 : i32
      %dma_start3A_75 = tpu.memref_slice %arg11[%multiple_of3A, %dma_start3A_74] : memref<10240x16xf32, #tpu.memory_space<vmem_shared>> -> memref<640x16xf32, #tpu.memory_space<vmem_shared>>
      %dma_start3A_76 = arith.constant 0 : i32
      %dma_start3A_77 = arith.constant 0 : i32
      %dma_start3A_78 = tpu.memref_slice %arg6[%dma_start3A_76, %dma_start3A_77] : memref<640x16xf32, #tpu.memory_space<hbm>> -> memref<640x16xf32, #tpu.memory_space<hbm>>
      tpu.enqueue_dma source(%dma_start3A_78 : memref<640x16xf32, #tpu.memory_space<hbm>>) target(%dma_start3A_75 : memref<640x16xf32, #tpu.memory_space<vmem_shared>>) target_semaphore(%run_scoped3A_73 : memref<!tpu.dma_semaphore, #tpu.memory_space<semaphore_mem>>)
      %dma_wait3A = arith.constant 0 : i32
      %dma_wait3A_79 = tpu.memref_slice %arg11[%multiple_of3A, %dma_wait3A] : memref<10240x16xf32, #tpu.memory_space<vmem_shared>> -> memref<640x16xf32, #tpu.memory_space<vmem_shared>>
      %dma_wait3A_80 = arith.constant 0 : i32
      %dma_wait3A_81 = arith.constant 0 : i32
      %dma_wait3A_82 = tpu.memref_slice %arg6[%dma_wait3A_80, %dma_wait3A_81] : memref<640x16xf32, #tpu.memory_space<hbm>> -> memref<640x16xf32, #tpu.memory_space<hbm>>
      tpu.wait_dma2 semaphore(%run_scoped3A_73 : memref<!tpu.dma_semaphore, #tpu.memory_space<semaphore_mem>>) src(%dma_wait3A_82 : memref<640x16xf32, #tpu.memory_space<hbm>>) dst(%dma_wait3A_79 : memref<640x16xf32, #tpu.memory_space<vmem_shared>>)
      tpu.yield
    }) : () -> ()
    %barrier3A_35 = arith.constant 0 : index
    tpu.barrier barrier_id(%barrier3A_35)
    %run_scoped3A_36 = arith.constant 1 : i32
    "tpu.region"() ({
      %run_scoped3A_73 = tpu.sem_alloc : memref<!tpu.dma_semaphore, #tpu.memory_space<semaphore_mem>>
      %dma_start3A_74 = arith.constant 0 : i32
      %dma_start3A_75 = tpu.memref_slice %arg3[%run_scoped3A_36, %arg0, %arg1, %dma_start3A_74] : memref<2x2x16x10112xi32, #tpu.memory_space<hbm>> -> memref<1x1x1x10112xi32, #tpu.memory_space<hbm>>
      %dma_start3A_76 = tpu.memref_squeeze %dma_start3A_75 : memref<1x1x1x10112xi32, #tpu.memory_space<hbm>> -> memref<10112xi32, #tpu.memory_space<hbm>>
      %dma_start3A_77 = arith.constant 0 : i32
      %dma_start3A_78 = tpu.memref_slice %arg3[%run_scoped3A_36, %arg0, %arg1, %dma_start3A_77] : memref<2x2x16x10112xi32, #tpu.memory_space<hbm>> -> memref<1x1x1x10112xi32, #tpu.memory_space<hbm>>
      %dma_start3A_79 = tpu.memref_squeeze %dma_start3A_78 : memref<1x1x1x10112xi32, #tpu.memory_space<hbm>> -> memref<10112xi32, #tpu.memory_space<hbm>>
      tpu.enqueue_dma source(%dma_start3A_79 : memref<10112xi32, #tpu.memory_space<hbm>>) target(%arg12 : memref<10112xi32, #tpu.memory_space<vmem>>) target_semaphore(%run_scoped3A_73 : memref<!tpu.dma_semaphore, #tpu.memory_space<semaphore_mem>>)
      %dma_wait3A = arith.constant 0 : i32
      %dma_wait3A_80 = tpu.memref_slice %arg3[%run_scoped3A_36, %arg0, %arg1, %dma_wait3A] : memref<2x2x16x10112xi32, #tpu.memory_space<hbm>> -> memref<1x1x1x10112xi32, #tpu.memory_space<hbm>>
      %dma_wait3A_81 = tpu.memref_squeeze %dma_wait3A_80 : memref<1x1x1x10112xi32, #tpu.memory_space<hbm>> -> memref<10112xi32, #tpu.memory_space<hbm>>
      %dma_wait3A_82 = arith.constant 0 : i32
      %dma_wait3A_83 = tpu.memref_slice %arg3[%run_scoped3A_36, %arg0, %arg1, %dma_wait3A_82] : memref<2x2x16x10112xi32, #tpu.memory_space<hbm>> -> memref<1x1x1x10112xi32, #tpu.memory_space<hbm>>
      %dma_wait3A_84 = tpu.memref_squeeze %dma_wait3A_83 : memref<1x1x1x10112xi32, #tpu.memory_space<hbm>> -> memref<10112xi32, #tpu.memory_space<hbm>>
      tpu.wait_dma2 semaphore(%run_scoped3A_73 : memref<!tpu.dma_semaphore, #tpu.memory_space<semaphore_mem>>) src(%dma_wait3A_84 : memref<10112xi32, #tpu.memory_space<hbm>>) dst(%arg12 : memref<10112xi32, #tpu.memory_space<vmem>>)
      tpu.yield
    }) : () -> ()
    %run_scoped3A_37 = arith.constant 1 : i32
    "tpu.region"() ({
      %run_scoped3A_73 = tpu.sem_alloc : memref<!tpu.dma_semaphore, #tpu.memory_space<semaphore_mem>>
      %dma_start3A_74 = arith.constant 0 : i32
      %dma_start3A_75 = tpu.memref_slice %arg4[%run_scoped3A_37, %arg1, %dma_start3A_74] : memref<2x16x10112xi32, #tpu.memory_space<hbm>> -> memref<1x1x10112xi32, #tpu.memory_space<hbm>>
      %dma_start3A_76 = tpu.memref_squeeze %dma_start3A_75 : memref<1x1x10112xi32, #tpu.memory_space<hbm>> -> memref<10112xi32, #tpu.memory_space<hbm>>
      %dma_start3A_77 = arith.constant 0 : i32
      %dma_start3A_78 = tpu.memref_slice %arg4[%run_scoped3A_37, %arg1, %dma_start3A_77] : memref<2x16x10112xi32, #tpu.memory_space<hbm>> -> memref<1x1x10112xi32, #tpu.memory_space<hbm>>
      %dma_start3A_79 = tpu.memref_squeeze %dma_start3A_78 : memref<1x1x10112xi32, #tpu.memory_space<hbm>> -> memref<10112xi32, #tpu.memory_space<hbm>>
      tpu.enqueue_dma source(%dma_start3A_79 : memref<10112xi32, #tpu.memory_space<hbm>>) target(%arg13 : memref<10112xi32, #tpu.memory_space<vmem>>) target_semaphore(%run_scoped3A_73 : memref<!tpu.dma_semaphore, #tpu.memory_space<semaphore_mem>>)
      %dma_wait3A = arith.constant 0 : i32
      %dma_wait3A_80 = tpu.memref_slice %arg4[%run_scoped3A_37, %arg1, %dma_wait3A] : memref<2x16x10112xi32, #tpu.memory_space<hbm>> -> memref<1x1x10112xi32, #tpu.memory_space<hbm>>
      %dma_wait3A_81 = tpu.memref_squeeze %dma_wait3A_80 : memref<1x1x10112xi32, #tpu.memory_space<hbm>> -> memref<10112xi32, #tpu.memory_space<hbm>>
      %dma_wait3A_82 = arith.constant 0 : i32
      %dma_wait3A_83 = tpu.memref_slice %arg4[%run_scoped3A_37, %arg1, %dma_wait3A_82] : memref<2x16x10112xi32, #tpu.memory_space<hbm>> -> memref<1x1x10112xi32, #tpu.memory_space<hbm>>
      %dma_wait3A_84 = tpu.memref_squeeze %dma_wait3A_83 : memref<1x1x10112xi32, #tpu.memory_space<hbm>> -> memref<10112xi32, #tpu.memory_space<hbm>>
      tpu.wait_dma2 semaphore(%run_scoped3A_73 : memref<!tpu.dma_semaphore, #tpu.memory_space<semaphore_mem>>) src(%dma_wait3A_84 : memref<10112xi32, #tpu.memory_space<hbm>>) dst(%arg13 : memref<10112xi32, #tpu.memory_space<vmem>>)
      tpu.yield
    }) : () -> ()
    %dma_start3A_38 = arith.constant 0 : i32
    %dma_start3A_39 = tpu.memref_slice %arg12[%dma_start3A_38] : memref<10112xi32, #tpu.memory_space<vmem>> -> memref<32xi32, #tpu.memory_space<vmem>>
    %dma_start3A_40 = arith.constant 0 : i32
    %dma_start3A_41 = arith.constant 0 : i32
    %dma_start3A_42 = tpu.memref_slice %arg2[%dma_start3A_40, %dma_start3A_41] : memref<20000x128xf32, #tpu.memory_space<hbm>> -> memref<20000x128xf32, #tpu.memory_space<hbm>>
    tpu.enqueue_indirect_dma source(%dma_start3A_42 : memref<20000x128xf32, #tpu.memory_space<hbm>>) target(%arg15 : memref<32x128xf32, #tpu.memory_space<vmem>>) offsets(%dma_start3A_39 : memref<32xi32, #tpu.memory_space<vmem>>) semaphore(%arg19 : memref<!tpu.dma_semaphore, #tpu.memory_space<semaphore_mem>>)
    %dma_start3A_43 = arith.constant 32 : i32
    %dma_start3A_44 = tpu.memref_slice %arg12[%dma_start3A_43] : memref<10112xi32, #tpu.memory_space<vmem>> -> memref<32xi32, #tpu.memory_space<vmem>>
    %dma_start3A_45 = arith.constant 0 : i32
    %dma_start3A_46 = arith.constant 0 : i32
    %dma_start3A_47 = tpu.memref_slice %arg2[%dma_start3A_45, %dma_start3A_46] : memref<20000x128xf32, #tpu.memory_space<hbm>> -> memref<20000x128xf32, #tpu.memory_space<hbm>>
    tpu.enqueue_indirect_dma source(%dma_start3A_47 : memref<20000x128xf32, #tpu.memory_space<hbm>>) target(%arg16 : memref<32x128xf32, #tpu.memory_space<vmem>>) offsets(%dma_start3A_44 : memref<32xi32, #tpu.memory_space<vmem>>) semaphore(%arg20 : memref<!tpu.dma_semaphore, #tpu.memory_space<semaphore_mem>>)
    %dma_start3A_48 = arith.constant 64 : i32
    %dma_start3A_49 = tpu.memref_slice %arg12[%dma_start3A_48] : memref<10112xi32, #tpu.memory_space<vmem>> -> memref<32xi32, #tpu.memory_space<vmem>>
    %dma_start3A_50 = arith.constant 0 : i32
    %dma_start3A_51 = arith.constant 0 : i32
    %dma_start3A_52 = tpu.memref_slice %arg2[%dma_start3A_50, %dma_start3A_51] : memref<20000x128xf32, #tpu.memory_space<hbm>> -> memref<20000x128xf32, #tpu.memory_space<hbm>>
    tpu.enqueue_indirect_dma source(%dma_start3A_52 : memref<20000x128xf32, #tpu.memory_space<hbm>>) target(%arg17 : memref<32x128xf32, #tpu.memory_space<vmem>>) offsets(%dma_start3A_49 : memref<32xi32, #tpu.memory_space<vmem>>) semaphore(%arg21 : memref<!tpu.dma_semaphore, #tpu.memory_space<semaphore_mem>>)
    %dma_start3A_53 = arith.constant 96 : i32
    %dma_start3A_54 = tpu.memref_slice %arg12[%dma_start3A_53] : memref<10112xi32, #tpu.memory_space<vmem>> -> memref<32xi32, #tpu.memory_space<vmem>>
    %dma_start3A_55 = arith.constant 0 : i32
    %dma_start3A_56 = arith.constant 0 : i32
    %dma_start3A_57 = tpu.memref_slice %arg2[%dma_start3A_55, %dma_start3A_56] : memref<20000x128xf32, #tpu.memory_space<hbm>> -> memref<20000x128xf32, #tpu.memory_space<hbm>>
    tpu.enqueue_indirect_dma source(%dma_start3A_57 : memref<20000x128xf32, #tpu.memory_space<hbm>>) target(%arg18 : memref<32x128xf32, #tpu.memory_space<vmem>>) offsets(%dma_start3A_54 : memref<32xi32, #tpu.memory_space<vmem>>) semaphore(%arg22 : memref<!tpu.dma_semaphore, #tpu.memory_space<semaphore_mem>>)
    %scan3A_58 = arith.constant 0 : i32
    %scan3A_59 = arith.constant 0 : i32
    %scan3A_60 = arith.constant 79 : i32
    %scan3A_61 = arith.addi %scan3A_59, %scan3A_60 : i32
    %scan3A_62 = arith.constant 1 : i32
    scf.for %scan3A_73 = %scan3A_59 to %scan3A_61 step %scan3A_62  : i32 {
      %mul3A_74 = arith.constant 128 : i32
      %mul3A_75 = arith.muli %scan3A_73, %mul3A_74 : i32
      %add3A = arith.constant 0 : i32
      %add3A_76 = arith.addi %mul3A_75, %add3A : i32
      %dma_wait3A = tpu.memref_slice %arg12[%add3A_76] : memref<10112xi32, #tpu.memory_space<vmem>> -> memref<32xi32, #tpu.memory_space<vmem>>
      %dma_wait3A_77 = arith.constant 0 : i32
      %dma_wait3A_78 = arith.constant 0 : i32
      %dma_wait3A_79 = tpu.memref_slice %arg2[%dma_wait3A_77, %dma_wait3A_78] : memref<20000x128xf32, #tpu.memory_space<hbm>> -> memref<20000x128xf32, #tpu.memory_space<hbm>>
      tpu.wait_indirect_dma semaphore(%arg19 : memref<!tpu.dma_semaphore, #tpu.memory_space<semaphore_mem>>) src(%dma_wait3A_79 : memref<20000x128xf32, #tpu.memory_space<hbm>>) dst(%arg15 : memref<32x128xf32, #tpu.memory_space<vmem>>)
      %add3A_80 = arith.constant 0 : i32
      %add3A_81 = arith.addi %mul3A_75, %add3A_80 : i32
      %add3A_82 = arith.constant 0 : i32
      %add3A_83 = arith.addi %add3A_81, %add3A_82 : i32
      %get3A = arith.index_cast %add3A_83 : i32 to index
      %get3A_84 = tpu.vector_load %arg13[%get3A] {strides = array<i32>} : memref<10112xi32, #tpu.memory_space<vmem>>, vector<16xi32>,
      %get3A_85 = vector.shape_cast %get3A_84 : vector<16xi32> to vector<16xi32>
      %dma_start3A_86 = arith.constant 0 : i32
      %dma_start3A_87 = arith.constant 0 : i32
      %dma_start3A_88 = tpu.memref_slice %arg15[%dma_start3A_86, %dma_start3A_87] : memref<32x128xf32, #tpu.memory_space<vmem>> -> memref<16x128xf32, #tpu.memory_space<vmem>>
      %dma_start3A_89 = arith.constant 0 : i32
      %dma_start3A_90 = arith.constant 0 : i32
      %dma_start3A_91 = tpu.memref_slice %arg10[%dma_start3A_89, %dma_start3A_90] : memref<10240x128xf32, #tpu.memory_space<vmem_shared>> -> memref<10240x128xf32, #tpu.memory_space<vmem_shared>>
      tpu.enqueue_indirect_dma source(%dma_start3A_88 : memref<16x128xf32, #tpu.memory_space<vmem>>) target(%dma_start3A_91 : memref<10240x128xf32, #tpu.memory_space<vmem_shared>>) offsets(%get3A_85 : vector<16xi32>) semaphore(%arg23 : memref<!tpu.dma_semaphore, #tpu.memory_space<semaphore_mem>>) {add = true}
      %dma_start3A_92 = arith.constant 0 : i32
      %dma_start3A_93 = arith.constant 0 : i32
      %dma_start3A_94 = tpu.memref_slice %arg11[%dma_start3A_92, %dma_start3A_93] : memref<10240x16xf32, #tpu.memory_space<vmem_shared>> -> memref<10240x16xf32, #tpu.memory_space<vmem_shared>>
      tpu.enqueue_indirect_dma source(%arg14 : memref<16x16xf32, #tpu.memory_space<vmem>>) target(%dma_start3A_94 : memref<10240x16xf32, #tpu.memory_space<vmem_shared>>) offsets(%get3A_85 : vector<16xi32>) semaphore(%arg27 : memref<!tpu.dma_semaphore, #tpu.memory_space<semaphore_mem>>) {add = true}
      %add3A_95 = arith.constant 0 : i32
      %add3A_96 = arith.addi %mul3A_75, %add3A_95 : i32
      %add3A_97 = arith.constant 16 : i32
      %add3A_98 = arith.addi %add3A_96, %add3A_97 : i32
      %get3A_99 = arith.index_cast %add3A_98 : i32 to index
      %get3A_100 = tpu.vector_load %arg13[%get3A_99] {strides = array<i32>} : memref<10112xi32, #tpu.memory_space<vmem>>, vector<16xi32>,
      %get3A_101 = vector.shape_cast %get3A_100 : vector<16xi32> to vector<16xi32>
      %dma_start3A_102 = arith.constant 16 : i32
      %dma_start3A_103 = arith.constant 0 : i32
      %dma_start3A_104 = tpu.memref_slice %arg15[%dma_start3A_102, %dma_start3A_103] : memref<32x128xf32, #tpu.memory_space<vmem>> -> memref<16x128xf32, #tpu.memory_space<vmem>>
      %dma_start3A_105 = arith.constant 0 : i32
      %dma_start3A_106 = arith.constant 0 : i32
      %dma_start3A_107 = tpu.memref_slice %arg10[%dma_start3A_105, %dma_start3A_106] : memref<10240x128xf32, #tpu.memory_space<vmem_shared>> -> memref<10240x128xf32, #tpu.memory_space<vmem_shared>>
      tpu.enqueue_indirect_dma source(%dma_start3A_104 : memref<16x128xf32, #tpu.memory_space<vmem>>) target(%dma_start3A_107 : memref<10240x128xf32, #tpu.memory_space<vmem_shared>>) offsets(%get3A_101 : vector<16xi32>) semaphore(%arg23 : memref<!tpu.dma_semaphore, #tpu.memory_space<semaphore_mem>>) {add = true}
      %dma_start3A_108 = arith.constant 0 : i32
      %dma_start3A_109 = arith.constant 0 : i32
      %dma_start3A_110 = tpu.memref_slice %arg11[%dma_start3A_108, %dma_start3A_109] : memref<10240x16xf32, #tpu.memory_space<vmem_shared>> -> memref<10240x16xf32, #tpu.memory_space<vmem_shared>>
      tpu.enqueue_indirect_dma source(%arg14 : memref<16x16xf32, #tpu.memory_space<vmem>>) target(%dma_start3A_110 : memref<10240x16xf32, #tpu.memory_space<vmem_shared>>) offsets(%get3A_101 : vector<16xi32>) semaphore(%arg27 : memref<!tpu.dma_semaphore, #tpu.memory_space<semaphore_mem>>) {add = true}
      %add3A_111 = arith.constant 32 : i32
      %add3A_112 = arith.addi %mul3A_75, %add3A_111 : i32
      %dma_wait3A_113 = tpu.memref_slice %arg12[%add3A_112] : memref<10112xi32, #tpu.memory_space<vmem>> -> memref<32xi32, #tpu.memory_space<vmem>>
      %dma_wait3A_114 = arith.constant 0 : i32
      %dma_wait3A_115 = arith.constant 0 : i32
      %dma_wait3A_116 = tpu.memref_slice %arg2[%dma_wait3A_114, %dma_wait3A_115] : memref<20000x128xf32, #tpu.memory_space<hbm>> -> memref<20000x128xf32, #tpu.memory_space<hbm>>
      tpu.wait_indirect_dma semaphore(%arg20 : memref<!tpu.dma_semaphore, #tpu.memory_space<semaphore_mem>>) src(%dma_wait3A_116 : memref<20000x128xf32, #tpu.memory_space<hbm>>) dst(%arg16 : memref<32x128xf32, #tpu.memory_space<vmem>>)
      %add3A_117 = arith.constant 32 : i32
      %add3A_118 = arith.addi %mul3A_75, %add3A_117 : i32
      %add3A_119 = arith.constant 0 : i32
      %add3A_120 = arith.addi %add3A_118, %add3A_119 : i32
      %get3A_121 = arith.index_cast %add3A_120 : i32 to index
      %get3A_122 = tpu.vector_load %arg13[%get3A_121] {strides = array<i32>} : memref<10112xi32, #tpu.memory_space<vmem>>, vector<16xi32>,
      %get3A_123 = vector.shape_cast %get3A_122 : vector<16xi32> to vector<16xi32>
      %dma_start3A_124 = arith.constant 0 : i32
      %dma_start3A_125 = arith.constant 0 : i32
      %dma_start3A_126 = tpu.memref_slice %arg16[%dma_start3A_124, %dma_start3A_125] : memref<32x128xf32, #tpu.memory_space<vmem>> -> memref<16x128xf32, #tpu.memory_space<vmem>>
      %dma_start3A_127 = arith.constant 0 : i32
      %dma_start3A_128 = arith.constant 0 : i32
      %dma_start3A_129 = tpu.memref_slice %arg10[%dma_start3A_127, %dma_start3A_128] : memref<10240x128xf32, #tpu.memory_space<vmem_shared>> -> memref<10240x128xf32, #tpu.memory_space<vmem_shared>>
      tpu.enqueue_indirect_dma source(%dma_start3A_126 : memref<16x128xf32, #tpu.memory_space<vmem>>) target(%dma_start3A_129 : memref<10240x128xf32, #tpu.memory_space<vmem_shared>>) offsets(%get3A_123 : vector<16xi32>) semaphore(%arg24 : memref<!tpu.dma_semaphore, #tpu.memory_space<semaphore_mem>>) {add = true}
      %dma_start3A_130 = arith.constant 0 : i32
      %dma_start3A_131 = arith.constant 0 : i32
      %dma_start3A_132 = tpu.memref_slice %arg11[%dma_start3A_130, %dma_start3A_131] : memref<10240x16xf32, #tpu.memory_space<vmem_shared>> -> memref<10240x16xf32, #tpu.memory_space<vmem_shared>>
      tpu.enqueue_indirect_dma source(%arg14 : memref<16x16xf32, #tpu.memory_space<vmem>>) target(%dma_start3A_132 : memref<10240x16xf32, #tpu.memory_space<vmem_shared>>) offsets(%get3A_123 : vector<16xi32>) semaphore(%arg27 : memref<!tpu.dma_semaphore, #tpu.memory_space<semaphore_mem>>) {add = true}
      %add3A_133 = arith.constant 32 : i32
      %add3A_134 = arith.addi %mul3A_75, %add3A_133 : i32
      %add3A_135 = arith.constant 16 : i32
      %add3A_136 = arith.addi %add3A_134, %add3A_135 : i32
      %get3A_137 = arith.index_cast %add3A_136 : i32 to index
      %get3A_138 = tpu.vector_load %arg13[%get3A_137] {strides = array<i32>} : memref<10112xi32, #tpu.memory_space<vmem>>, vector<16xi32>,
      %get3A_139 = vector.shape_cast %get3A_138 : vector<16xi32> to vector<16xi32>
      %dma_start3A_140 = arith.constant 16 : i32
      %dma_start3A_141 = arith.constant 0 : i32
      %dma_start3A_142 = tpu.memref_slice %arg16[%dma_start3A_140, %dma_start3A_141] : memref<32x128xf32, #tpu.memory_space<vmem>> -> memref<16x128xf32, #tpu.memory_space<vmem>>
      %dma_start3A_143 = arith.constant 0 : i32
      %dma_start3A_144 = arith.constant 0 : i32
      %dma_start3A_145 = tpu.memref_slice %arg10[%dma_start3A_143, %dma_start3A_144] : memref<10240x128xf32, #tpu.memory_space<vmem_shared>> -> memref<10240x128xf32, #tpu.memory_space<vmem_shared>>
      tpu.enqueue_indirect_dma source(%dma_start3A_142 : memref<16x128xf32, #tpu.memory_space<vmem>>) target(%dma_start3A_145 : memref<10240x128xf32, #tpu.memory_space<vmem_shared>>) offsets(%get3A_139 : vector<16xi32>) semaphore(%arg24 : memref<!tpu.dma_semaphore, #tpu.memory_space<semaphore_mem>>) {add = true}
      %dma_start3A_146 = arith.constant 0 : i32
      %dma_start3A_147 = arith.constant 0 : i32
      %dma_start3A_148 = tpu.memref_slice %arg11[%dma_start3A_146, %dma_start3A_147] : memref<10240x16xf32, #tpu.memory_space<vmem_shared>> -> memref<10240x16xf32, #tpu.memory_space<vmem_shared>>
      tpu.enqueue_indirect_dma source(%arg14 : memref<16x16xf32, #tpu.memory_space<vmem>>) target(%dma_start3A_148 : memref<10240x16xf32, #tpu.memory_space<vmem_shared>>) offsets(%get3A_139 : vector<16xi32>) semaphore(%arg27 : memref<!tpu.dma_semaphore, #tpu.memory_space<semaphore_mem>>) {add = true}
      %add3A_149 = arith.constant 64 : i32
      %add3A_150 = arith.addi %mul3A_75, %add3A_149 : i32
      %dma_wait3A_151 = tpu.memref_slice %arg12[%add3A_150] : memref<10112xi32, #tpu.memory_space<vmem>> -> memref<32xi32, #tpu.memory_space<vmem>>
      %dma_wait3A_152 = arith.constant 0 : i32
      %dma_wait3A_153 = arith.constant 0 : i32
      %dma_wait3A_154 = tpu.memref_slice %arg2[%dma_wait3A_152, %dma_wait3A_153] : memref<20000x128xf32, #tpu.memory_space<hbm>> -> memref<20000x128xf32, #tpu.memory_space<hbm>>
      tpu.wait_indirect_dma semaphore(%arg21 : memref<!tpu.dma_semaphore, #tpu.memory_space<semaphore_mem>>) src(%dma_wait3A_154 : memref<20000x128xf32, #tpu.memory_space<hbm>>) dst(%arg17 : memref<32x128xf32, #tpu.memory_space<vmem>>)
      %add3A_155 = arith.constant 64 : i32
      %add3A_156 = arith.addi %mul3A_75, %add3A_155 : i32
      %add3A_157 = arith.constant 0 : i32
      %add3A_158 = arith.addi %add3A_156, %add3A_157 : i32
      %get3A_159 = arith.index_cast %add3A_158 : i32 to index
      %get3A_160 = tpu.vector_load %arg13[%get3A_159] {strides = array<i32>} : memref<10112xi32, #tpu.memory_space<vmem>>, vector<16xi32>,
      %get3A_161 = vector.shape_cast %get3A_160 : vector<16xi32> to vector<16xi32>
      %dma_start3A_162 = arith.constant 0 : i32
      %dma_start3A_163 = arith.constant 0 : i32
      %dma_start3A_164 = tpu.memref_slice %arg17[%dma_start3A_162, %dma_start3A_163] : memref<32x128xf32, #tpu.memory_space<vmem>> -> memref<16x128xf32, #tpu.memory_space<vmem>>
      %dma_start3A_165 = arith.constant 0 : i32
      %dma_start3A_166 = arith.constant 0 : i32
      %dma_start3A_167 = tpu.memref_slice %arg10[%dma_start3A_165, %dma_start3A_166] : memref<10240x128xf32, #tpu.memory_space<vmem_shared>> -> memref<10240x128xf32, #tpu.memory_space<vmem_shared>>
      tpu.enqueue_indirect_dma source(%dma_start3A_164 : memref<16x128xf32, #tpu.memory_space<vmem>>) target(%dma_start3A_167 : memref<10240x128xf32, #tpu.memory_space<vmem_shared>>) offsets(%get3A_161 : vector<16xi32>) semaphore(%arg25 : memref<!tpu.dma_semaphore, #tpu.memory_space<semaphore_mem>>) {add = true}
      %dma_start3A_168 = arith.constant 0 : i32
      %dma_start3A_169 = arith.constant 0 : i32
      %dma_start3A_170 = tpu.memref_slice %arg11[%dma_start3A_168, %dma_start3A_169] : memref<10240x16xf32, #tpu.memory_space<vmem_shared>> -> memref<10240x16xf32, #tpu.memory_space<vmem_shared>>
      tpu.enqueue_indirect_dma source(%arg14 : memref<16x16xf32, #tpu.memory_space<vmem>>) target(%dma_start3A_170 : memref<10240x16xf32, #tpu.memory_space<vmem_shared>>) offsets(%get3A_161 : vector<16xi32>) semaphore(%arg27 : memref<!tpu.dma_semaphore, #tpu.memory_space<semaphore_mem>>) {add = true}
      %add3A_171 = arith.constant 64 : i32
      %add3A_172 = arith.addi %mul3A_75, %add3A_171 : i32
      %add3A_173 = arith.constant 16 : i32
      %add3A_174 = arith.addi %add3A_172, %add3A_173 : i32
      %get3A_175 = arith.index_cast %add3A_174 : i32 to index
      %get3A_176 = tpu.vector_load %arg13[%get3A_175] {strides = array<i32>} : memref<10112xi32, #tpu.memory_space<vmem>>, vector<16xi32>,
      %get3A_177 = vector.shape_cast %get3A_176 : vector<16xi32> to vector<16xi32>
      %dma_start3A_178 = arith.constant 16 : i32
      %dma_start3A_179 = arith.constant 0 : i32
      %dma_start3A_180 = tpu.memref_slice %arg17[%dma_start3A_178, %dma_start3A_179] : memref<32x128xf32, #tpu.memory_space<vmem>> -> memref<16x128xf32, #tpu.memory_space<vmem>>
      %dma_start3A_181 = arith.constant 0 : i32
      %dma_start3A_182 = arith.constant 0 : i32
      %dma_start3A_183 = tpu.memref_slice %arg10[%dma_start3A_181, %dma_start3A_182] : memref<10240x128xf32, #tpu.memory_space<vmem_shared>> -> memref<10240x128xf32, #tpu.memory_space<vmem_shared>>
      tpu.enqueue_indirect_dma source(%dma_start3A_180 : memref<16x128xf32, #tpu.memory_space<vmem>>) target(%dma_start3A_183 : memref<10240x128xf32, #tpu.memory_space<vmem_shared>>) offsets(%get3A_177 : vector<16xi32>) semaphore(%arg25 : memref<!tpu.dma_semaphore, #tpu.memory_space<semaphore_mem>>) {add = true}
      %dma_start3A_184 = arith.constant 0 : i32
      %dma_start3A_185 = arith.constant 0 : i32
      %dma_start3A_186 = tpu.memref_slice %arg11[%dma_start3A_184, %dma_start3A_185] : memref<10240x16xf32, #tpu.memory_space<vmem_shared>> -> memref<10240x16xf32, #tpu.memory_space<vmem_shared>>
      tpu.enqueue_indirect_dma source(%arg14 : memref<16x16xf32, #tpu.memory_space<vmem>>) target(%dma_start3A_186 : memref<10240x16xf32, #tpu.memory_space<vmem_shared>>) offsets(%get3A_177 : vector<16xi32>) semaphore(%arg27 : memref<!tpu.dma_semaphore, #tpu.memory_space<semaphore_mem>>) {add = true}
      %add3A_187 = arith.constant 96 : i32
      %add3A_188 = arith.addi %mul3A_75, %add3A_187 : i32
      %dma_wait3A_189 = tpu.memref_slice %arg12[%add3A_188] : memref<10112xi32, #tpu.memory_space<vmem>> -> memref<32xi32, #tpu.memory_space<vmem>>
      %dma_wait3A_190 = arith.constant 0 : i32
      %dma_wait3A_191 = arith.constant 0 : i32
      %dma_wait3A_192 = tpu.memref_slice %arg2[%dma_wait3A_190, %dma_wait3A_191] : memref<20000x128xf32, #tpu.memory_space<hbm>> -> memref<20000x128xf32, #tpu.memory_space<hbm>>
      tpu.wait_indirect_dma semaphore(%arg22 : memref<!tpu.dma_semaphore, #tpu.memory_space<semaphore_mem>>) src(%dma_wait3A_192 : memref<20000x128xf32, #tpu.memory_space<hbm>>) dst(%arg18 : memref<32x128xf32, #tpu.memory_space<vmem>>)
      %add3A_193 = arith.constant 96 : i32
      %add3A_194 = arith.addi %mul3A_75, %add3A_193 : i32
      %add3A_195 = arith.constant 0 : i32
      %add3A_196 = arith.addi %add3A_194, %add3A_195 : i32
      %get3A_197 = arith.index_cast %add3A_196 : i32 to index
      %get3A_198 = tpu.vector_load %arg13[%get3A_197] {strides = array<i32>} : memref<10112xi32, #tpu.memory_space<vmem>>, vector<16xi32>,
      %get3A_199 = vector.shape_cast %get3A_198 : vector<16xi32> to vector<16xi32>
      %dma_start3A_200 = arith.constant 0 : i32
      %dma_start3A_201 = arith.constant 0 : i32
      %dma_start3A_202 = tpu.memref_slice %arg18[%dma_start3A_200, %dma_start3A_201] : memref<32x128xf32, #tpu.memory_space<vmem>> -> memref<16x128xf32, #tpu.memory_space<vmem>>
      %dma_start3A_203 = arith.constant 0 : i32
      %dma_start3A_204 = arith.constant 0 : i32
      %dma_start3A_205 = tpu.memref_slice %arg10[%dma_start3A_203, %dma_start3A_204] : memref<10240x128xf32, #tpu.memory_space<vmem_shared>> -> memref<10240x128xf32, #tpu.memory_space<vmem_shared>>
      tpu.enqueue_indirect_dma source(%dma_start3A_202 : memref<16x128xf32, #tpu.memory_space<vmem>>) target(%dma_start3A_205 : memref<10240x128xf32, #tpu.memory_space<vmem_shared>>) offsets(%get3A_199 : vector<16xi32>) semaphore(%arg26 : memref<!tpu.dma_semaphore, #tpu.memory_space<semaphore_mem>>) {add = true}
      %dma_start3A_206 = arith.constant 0 : i32
      %dma_start3A_207 = arith.constant 0 : i32
      %dma_start3A_208 = tpu.memref_slice %arg11[%dma_start3A_206, %dma_start3A_207] : memref<10240x16xf32, #tpu.memory_space<vmem_shared>> -> memref<10240x16xf32, #tpu.memory_space<vmem_shared>>
      tpu.enqueue_indirect_dma source(%arg14 : memref<16x16xf32, #tpu.memory_space<vmem>>) target(%dma_start3A_208 : memref<10240x16xf32, #tpu.memory_space<vmem_shared>>) offsets(%get3A_199 : vector<16xi32>) semaphore(%arg27 : memref<!tpu.dma_semaphore, #tpu.memory_space<semaphore_mem>>) {add = true}
      %add3A_209 = arith.constant 96 : i32
      %add3A_210 = arith.addi %mul3A_75, %add3A_209 : i32
      %add3A_211 = arith.constant 16 : i32
      %add3A_212 = arith.addi %add3A_210, %add3A_211 : i32
      %get3A_213 = arith.index_cast %add3A_212 : i32 to index
      %get3A_214 = tpu.vector_load %arg13[%get3A_213] {strides = array<i32>} : memref<10112xi32, #tpu.memory_space<vmem>>, vector<16xi32>,
      %get3A_215 = vector.shape_cast %get3A_214 : vector<16xi32> to vector<16xi32>
      %dma_start3A_216 = arith.constant 16 : i32
      %dma_start3A_217 = arith.constant 0 : i32
      %dma_start3A_218 = tpu.memref_slice %arg18[%dma_start3A_216, %dma_start3A_217] : memref<32x128xf32, #tpu.memory_space<vmem>> -> memref<16x128xf32, #tpu.memory_space<vmem>>
      %dma_start3A_219 = arith.constant 0 : i32
      %dma_start3A_220 = arith.constant 0 : i32
      %dma_start3A_221 = tpu.memref_slice %arg10[%dma_start3A_219, %dma_start3A_220] : memref<10240x128xf32, #tpu.memory_space<vmem_shared>> -> memref<10240x128xf32, #tpu.memory_space<vmem_shared>>
      tpu.enqueue_indirect_dma source(%dma_start3A_218 : memref<16x128xf32, #tpu.memory_space<vmem>>) target(%dma_start3A_221 : memref<10240x128xf32, #tpu.memory_space<vmem_shared>>) offsets(%get3A_215 : vector<16xi32>) semaphore(%arg26 : memref<!tpu.dma_semaphore, #tpu.memory_space<semaphore_mem>>) {add = true}
      %dma_start3A_222 = arith.constant 0 : i32
      %dma_start3A_223 = arith.constant 0 : i32
      %dma_start3A_224 = tpu.memref_slice %arg11[%dma_start3A_222, %dma_start3A_223] : memref<10240x16xf32, #tpu.memory_space<vmem_shared>> -> memref<10240x16xf32, #tpu.memory_space<vmem_shared>>
      tpu.enqueue_indirect_dma source(%arg14 : memref<16x16xf32, #tpu.memory_space<vmem>>) target(%dma_start3A_224 : memref<10240x16xf32, #tpu.memory_space<vmem_shared>>) offsets(%get3A_215 : vector<16xi32>) semaphore(%arg27 : memref<!tpu.dma_semaphore, #tpu.memory_space<semaphore_mem>>) {add = true}
      %dma_wait3A_225 = arith.constant 0 : i32
      %dma_wait3A_226 = arith.constant 0 : i32
      %dma_wait3A_227 = tpu.memref_slice %arg15[%dma_wait3A_225, %dma_wait3A_226] : memref<32x128xf32, #tpu.memory_space<vmem>> -> memref<16x128xf32, #tpu.memory_space<vmem>>
      %dma_wait3A_228 = arith.constant 0 : i32
      %dma_wait3A_229 = arith.constant 0 : i32
      %dma_wait3A_230 = tpu.memref_slice %arg10[%dma_wait3A_228, %dma_wait3A_229] : memref<10240x128xf32, #tpu.memory_space<vmem_shared>> -> memref<10240x128xf32, #tpu.memory_space<vmem_shared>>
      tpu.wait_indirect_dma semaphore(%arg23 : memref<!tpu.dma_semaphore, #tpu.memory_space<semaphore_mem>>) src(%dma_wait3A_227 : memref<16x128xf32, #tpu.memory_space<vmem>>) dst(%dma_wait3A_230 : memref<10240x128xf32, #tpu.memory_space<vmem_shared>>)
      %dma_wait3A_231 = arith.constant 16 : i32
      %dma_wait3A_232 = arith.constant 0 : i32
      %dma_wait3A_233 = tpu.memref_slice %arg15[%dma_wait3A_231, %dma_wait3A_232] : memref<32x128xf32, #tpu.memory_space<vmem>> -> memref<16x128xf32, #tpu.memory_space<vmem>>
      %dma_wait3A_234 = arith.constant 0 : i32
      %dma_wait3A_235 = arith.constant 0 : i32
      %dma_wait3A_236 = tpu.memref_slice %arg10[%dma_wait3A_234, %dma_wait3A_235] : memref<10240x128xf32, #tpu.memory_space<vmem_shared>> -> memref<10240x128xf32, #tpu.memory_space<vmem_shared>>
      tpu.wait_indirect_dma semaphore(%arg23 : memref<!tpu.dma_semaphore, #tpu.memory_space<semaphore_mem>>) src(%dma_wait3A_233 : memref<16x128xf32, #tpu.memory_space<vmem>>) dst(%dma_wait3A_236 : memref<10240x128xf32, #tpu.memory_space<vmem_shared>>)
      %lt3A = arith.constant 78 : i32
      %lt3A_237 = arith.cmpi slt, %scan3A_73, %lt3A : i32
      %convert_element_type3A = arith.extui %lt3A_237 : i1 to i32
      %cond3A = arith.constant 0 : i32
      %cond3A_238 = arith.cmpi ne, %convert_element_type3A, %cond3A : i32
      scf.if %cond3A_238 {
        %add3A_290 = arith.constant 128 : i32
        %add3A_291 = arith.addi %mul3A_75, %add3A_290 : i32
        %dma_start3A_292 = tpu.memref_slice %arg12[%add3A_291] : memref<10112xi32, #tpu.memory_space<vmem>> -> memref<32xi32, #tpu.memory_space<vmem>>
        %dma_start3A_293 = arith.constant 0 : i32
        %dma_start3A_294 = arith.constant 0 : i32
        %dma_start3A_295 = tpu.memref_slice %arg2[%dma_start3A_293, %dma_start3A_294] : memref<20000x128xf32, #tpu.memory_space<hbm>> -> memref<20000x128xf32, #tpu.memory_space<hbm>>
        tpu.enqueue_indirect_dma source(%dma_start3A_295 : memref<20000x128xf32, #tpu.memory_space<hbm>>) target(%arg15 : memref<32x128xf32, #tpu.memory_space<vmem>>) offsets(%dma_start3A_292 : memref<32xi32, #tpu.memory_space<vmem>>) semaphore(%arg19 : memref<!tpu.dma_semaphore, #tpu.memory_space<semaphore_mem>>)
      } else {
      }
      %dma_wait3A_239 = arith.constant 0 : i32
      %dma_wait3A_240 = arith.constant 0 : i32
      %dma_wait3A_241 = tpu.memref_slice %arg16[%dma_wait3A_239, %dma_wait3A_240] : memref<32x128xf32, #tpu.memory_space<vmem>> -> memref<16x128xf32, #tpu.memory_space<vmem>>
      %dma_wait3A_242 = arith.constant 0 : i32
      %dma_wait3A_243 = arith.constant 0 : i32
      %dma_wait3A_244 = tpu.memref_slice %arg10[%dma_wait3A_242, %dma_wait3A_243] : memref<10240x128xf32, #tpu.memory_space<vmem_shared>> -> memref<10240x128xf32, #tpu.memory_space<vmem_shared>>
      tpu.wait_indirect_dma semaphore(%arg24 : memref<!tpu.dma_semaphore, #tpu.memory_space<semaphore_mem>>) src(%dma_wait3A_241 : memref<16x128xf32, #tpu.memory_space<vmem>>) dst(%dma_wait3A_244 : memref<10240x128xf32, #tpu.memory_space<vmem_shared>>)
      %dma_wait3A_245 = arith.constant 16 : i32
      %dma_wait3A_246 = arith.constant 0 : i32
      %dma_wait3A_247 = tpu.memref_slice %arg16[%dma_wait3A_245, %dma_wait3A_246] : memref<32x128xf32, #tpu.memory_space<vmem>> -> memref<16x128xf32, #tpu.memory_space<vmem>>
      %dma_wait3A_248 = arith.constant 0 : i32
      %dma_wait3A_249 = arith.constant 0 : i32
      %dma_wait3A_250 = tpu.memref_slice %arg10[%dma_wait3A_248, %dma_wait3A_249] : memref<10240x128xf32, #tpu.memory_space<vmem_shared>> -> memref<10240x128xf32, #tpu.memory_space<vmem_shared>>
      tpu.wait_indirect_dma semaphore(%arg24 : memref<!tpu.dma_semaphore, #tpu.memory_space<semaphore_mem>>) src(%dma_wait3A_247 : memref<16x128xf32, #tpu.memory_space<vmem>>) dst(%dma_wait3A_250 : memref<10240x128xf32, #tpu.memory_space<vmem_shared>>)
      %lt3A_251 = arith.constant 78 : i32
      %lt3A_252 = arith.cmpi slt, %scan3A_73, %lt3A_251 : i32
      %convert_element_type3A_253 = arith.extui %lt3A_252 : i1 to i32
      %cond3A_254 = arith.constant 0 : i32
      %cond3A_255 = arith.cmpi ne, %convert_element_type3A_253, %cond3A_254 : i32
      scf.if %cond3A_255 {
        %add3A_290 = arith.constant 160 : i32
        %add3A_291 = arith.addi %mul3A_75, %add3A_290 : i32
        %dma_start3A_292 = tpu.memref_slice %arg12[%add3A_291] : memref<10112xi32, #tpu.memory_space<vmem>> -> memref<32xi32, #tpu.memory_space<vmem>>
        %dma_start3A_293 = arith.constant 0 : i32
        %dma_start3A_294 = arith.constant 0 : i32
        %dma_start3A_295 = tpu.memref_slice %arg2[%dma_start3A_293, %dma_start3A_294] : memref<20000x128xf32, #tpu.memory_space<hbm>> -> memref<20000x128xf32, #tpu.memory_space<hbm>>
        tpu.enqueue_indirect_dma source(%dma_start3A_295 : memref<20000x128xf32, #tpu.memory_space<hbm>>) target(%arg16 : memref<32x128xf32, #tpu.memory_space<vmem>>) offsets(%dma_start3A_292 : memref<32xi32, #tpu.memory_space<vmem>>) semaphore(%arg20 : memref<!tpu.dma_semaphore, #tpu.memory_space<semaphore_mem>>)
      } else {
      }
      %dma_wait3A_256 = arith.constant 0 : i32
      %dma_wait3A_257 = arith.constant 0 : i32
      %dma_wait3A_258 = tpu.memref_slice %arg17[%dma_wait3A_256, %dma_wait3A_257] : memref<32x128xf32, #tpu.memory_space<vmem>> -> memref<16x128xf32, #tpu.memory_space<vmem>>
      %dma_wait3A_259 = arith.constant 0 : i32
      %dma_wait3A_260 = arith.constant 0 : i32
      %dma_wait3A_261 = tpu.memref_slice %arg10[%dma_wait3A_259, %dma_wait3A_260] : memref<10240x128xf32, #tpu.memory_space<vmem_shared>> -> memref<10240x128xf32, #tpu.memory_space<vmem_shared>>
      tpu.wait_indirect_dma semaphore(%arg25 : memref<!tpu.dma_semaphore, #tpu.memory_space<semaphore_mem>>) src(%dma_wait3A_258 : memref<16x128xf32, #tpu.memory_space<vmem>>) dst(%dma_wait3A_261 : memref<10240x128xf32, #tpu.memory_space<vmem_shared>>)
      %dma_wait3A_262 = arith.constant 16 : i32
      %dma_wait3A_263 = arith.constant 0 : i32
      %dma_wait3A_264 = tpu.memref_slice %arg17[%dma_wait3A_262, %dma_wait3A_263] : memref<32x128xf32, #tpu.memory_space<vmem>> -> memref<16x128xf32, #tpu.memory_space<vmem>>
      %dma_wait3A_265 = arith.constant 0 : i32
      %dma_wait3A_266 = arith.constant 0 : i32
      %dma_wait3A_267 = tpu.memref_slice %arg10[%dma_wait3A_265, %dma_wait3A_266] : memref<10240x128xf32, #tpu.memory_space<vmem_shared>> -> memref<10240x128xf32, #tpu.memory_space<vmem_shared>>
      tpu.wait_indirect_dma semaphore(%arg25 : memref<!tpu.dma_semaphore, #tpu.memory_space<semaphore_mem>>) src(%dma_wait3A_264 : memref<16x128xf32, #tpu.memory_space<vmem>>) dst(%dma_wait3A_267 : memref<10240x128xf32, #tpu.memory_space<vmem_shared>>)
      %lt3A_268 = arith.constant 78 : i32
      %lt3A_269 = arith.cmpi slt, %scan3A_73, %lt3A_268 : i32
      %convert_element_type3A_270 = arith.extui %lt3A_269 : i1 to i32
      %cond3A_271 = arith.constant 0 : i32
      %cond3A_272 = arith.cmpi ne, %convert_element_type3A_270, %cond3A_271 : i32
      scf.if %cond3A_272 {
        %add3A_290 = arith.constant 192 : i32
        %add3A_291 = arith.addi %mul3A_75, %add3A_290 : i32
        %dma_start3A_292 = tpu.memref_slice %arg12[%add3A_291] : memref<10112xi32, #tpu.memory_space<vmem>> -> memref<32xi32, #tpu.memory_space<vmem>>
        %dma_start3A_293 = arith.constant 0 : i32
        %dma_start3A_294 = arith.constant 0 : i32
        %dma_start3A_295 = tpu.memref_slice %arg2[%dma_start3A_293, %dma_start3A_294] : memref<20000x128xf32, #tpu.memory_space<hbm>> -> memref<20000x128xf32, #tpu.memory_space<hbm>>
        tpu.enqueue_indirect_dma source(%dma_start3A_295 : memref<20000x128xf32, #tpu.memory_space<hbm>>) target(%arg17 : memref<32x128xf32, #tpu.memory_space<vmem>>) offsets(%dma_start3A_292 : memref<32xi32, #tpu.memory_space<vmem>>) semaphore(%arg21 : memref<!tpu.dma_semaphore, #tpu.memory_space<semaphore_mem>>)
      } else {
      }
      %dma_wait3A_273 = arith.constant 0 : i32
      %dma_wait3A_274 = arith.constant 0 : i32
      %dma_wait3A_275 = tpu.memref_slice %arg18[%dma_wait3A_273, %dma_wait3A_274] : memref<32x128xf32, #tpu.memory_space<vmem>> -> memref<16x128xf32, #tpu.memory_space<vmem>>
      %dma_wait3A_276 = arith.constant 0 : i32
      %dma_wait3A_277 = arith.constant 0 : i32
      %dma_wait3A_278 = tpu.memref_slice %arg10[%dma_wait3A_276, %dma_wait3A_277] : memref<10240x128xf32, #tpu.memory_space<vmem_shared>> -> memref<10240x128xf32, #tpu.memory_space<vmem_shared>>
      tpu.wait_indirect_dma semaphore(%arg26 : memref<!tpu.dma_semaphore, #tpu.memory_space<semaphore_mem>>) src(%dma_wait3A_275 : memref<16x128xf32, #tpu.memory_space<vmem>>) dst(%dma_wait3A_278 : memref<10240x128xf32, #tpu.memory_space<vmem_shared>>)
      %dma_wait3A_279 = arith.constant 16 : i32
      %dma_wait3A_280 = arith.constant 0 : i32
      %dma_wait3A_281 = tpu.memref_slice %arg18[%dma_wait3A_279, %dma_wait3A_280] : memref<32x128xf32, #tpu.memory_space<vmem>> -> memref<16x128xf32, #tpu.memory_space<vmem>>
      %dma_wait3A_282 = arith.constant 0 : i32
      %dma_wait3A_283 = arith.constant 0 : i32
      %dma_wait3A_284 = tpu.memref_slice %arg10[%dma_wait3A_282, %dma_wait3A_283] : memref<10240x128xf32, #tpu.memory_space<vmem_shared>> -> memref<10240x128xf32, #tpu.memory_space<vmem_shared>>
      tpu.wait_indirect_dma semaphore(%arg26 : memref<!tpu.dma_semaphore, #tpu.memory_space<semaphore_mem>>) src(%dma_wait3A_281 : memref<16x128xf32, #tpu.memory_space<vmem>>) dst(%dma_wait3A_284 : memref<10240x128xf32, #tpu.memory_space<vmem_shared>>)
      %lt3A_285 = arith.constant 78 : i32
      %lt3A_286 = arith.cmpi slt, %scan3A_73, %lt3A_285 : i32
      %convert_element_type3A_287 = arith.extui %lt3A_286 : i1 to i32
      %cond3A_288 = arith.constant 0 : i32
      %cond3A_289 = arith.cmpi ne, %convert_element_type3A_287, %cond3A_288 : i32
      scf.if %cond3A_289 {
        %add3A_290 = arith.constant 224 : i32
        %add3A_291 = arith.addi %mul3A_75, %add3A_290 : i32
        %dma_start3A_292 = tpu.memref_slice %arg12[%add3A_291] : memref<10112xi32, #tpu.memory_space<vmem>> -> memref<32xi32, #tpu.memory_space<vmem>>
        %dma_start3A_293 = arith.constant 0 : i32
        %dma_start3A_294 = arith.constant 0 : i32
        %dma_start3A_295 = tpu.memref_slice %arg2[%dma_start3A_293, %dma_start3A_294] : memref<20000x128xf32, #tpu.memory_space<hbm>> -> memref<20000x128xf32, #tpu.memory_space<hbm>>
        tpu.enqueue_indirect_dma source(%dma_start3A_295 : memref<20000x128xf32, #tpu.memory_space<hbm>>) target(%arg18 : memref<32x128xf32, #tpu.memory_space<vmem>>) offsets(%dma_start3A_292 : memref<32xi32, #tpu.memory_space<vmem>>) semaphore(%arg22 : memref<!tpu.dma_semaphore, #tpu.memory_space<semaphore_mem>>)
      } else {
      }
    }
    %scan3A_63 = arith.constant 79 : i32
    %scan3A_64 = arith.constant 0 : i32
    %scan3A_65 = arith.constant 0 : i32
    %scan3A_66 = arith.constant 632 : i32
    %scan3A_67 = arith.addi %scan3A_65, %scan3A_66 : i32
    %scan3A_68 = arith.constant 1 : i32
    scf.for %scan3A_73 = %scan3A_65 to %scan3A_67 step %scan3A_68  : i32 {
      tpu.wait_dma2 semaphore(%arg27 : memref<!tpu.dma_semaphore, #tpu.memory_space<semaphore_mem>>) src(%arg7 : memref<16x16xf32, #tpu.memory_space<hbm>>) dst(%arg14 : memref<16x16xf32, #tpu.memory_space<vmem>>)
    }
    %scan3A_69 = arith.constant 632 : i32
    %barrier3A_70 = arith.constant 0 : index
    tpu.barrier barrier_id(%barrier3A_70)
    %run_scoped3A_71 = arith.constant 1 : i32
    "tpu.region"() ({
      %run_scoped3A_73 = tpu.sem_alloc : memref<!tpu.dma_semaphore, #tpu.memory_space<semaphore_mem>>
      %dma_start3A_74 = arith.constant 0 : i32
      %dma_start3A_75 = tpu.memref_slice %arg8[%run_scoped3A_71, %arg0, %multiple_of3A, %dma_start3A_74] : memref<2x2x10240x128xf32, #tpu.memory_space<hbm>> -> memref<1x1x640x128xf32, #tpu.memory_space<hbm>>
      %dma_start3A_76 = tpu.memref_squeeze %dma_start3A_75 : memref<1x1x640x128xf32, #tpu.memory_space<hbm>> -> memref<640x128xf32, #tpu.memory_space<hbm>>
      %dma_start3A_77 = arith.constant 0 : i32
      %dma_start3A_78 = tpu.memref_slice %arg10[%multiple_of3A, %dma_start3A_77] : memref<10240x128xf32, #tpu.memory_space<vmem_shared>> -> memref<640x128xf32, #tpu.memory_space<vmem_shared>>
      tpu.enqueue_dma source(%dma_start3A_78 : memref<640x128xf32, #tpu.memory_space<vmem_shared>>) target(%dma_start3A_76 : memref<640x128xf32, #tpu.memory_space<hbm>>) target_semaphore(%run_scoped3A_73 : memref<!tpu.dma_semaphore, #tpu.memory_space<semaphore_mem>>)
      %dma_wait3A = arith.constant 0 : i32
      %dma_wait3A_79 = tpu.memref_slice %arg8[%run_scoped3A_71, %arg0, %multiple_of3A, %dma_wait3A] : memref<2x2x10240x128xf32, #tpu.memory_space<hbm>> -> memref<1x1x640x128xf32, #tpu.memory_space<hbm>>
      %dma_wait3A_80 = tpu.memref_squeeze %dma_wait3A_79 : memref<1x1x640x128xf32, #tpu.memory_space<hbm>> -> memref<640x128xf32, #tpu.memory_space<hbm>>
      %dma_wait3A_81 = arith.constant 0 : i32
      %dma_wait3A_82 = tpu.memref_slice %arg10[%multiple_of3A, %dma_wait3A_81] : memref<10240x128xf32, #tpu.memory_space<vmem_shared>> -> memref<640x128xf32, #tpu.memory_space<vmem_shared>>
      tpu.wait_dma2 semaphore(%run_scoped3A_73 : memref<!tpu.dma_semaphore, #tpu.memory_space<semaphore_mem>>) src(%dma_wait3A_82 : memref<640x128xf32, #tpu.memory_space<vmem_shared>>) dst(%dma_wait3A_80 : memref<640x128xf32, #tpu.memory_space<hbm>>)
      tpu.yield
    }) : () -> ()
    %run_scoped3A_72 = arith.constant 1 : i32
    "tpu.region"() ({
      %run_scoped3A_73 = tpu.sem_alloc : memref<!tpu.dma_semaphore, #tpu.memory_space<semaphore_mem>>
      %dma_start3A_74 = arith.constant 0 : i32
      %dma_start3A_75 = tpu.memref_slice %arg9[%run_scoped3A_72, %arg0, %multiple_of3A, %dma_start3A_74] : memref<2x2x10240x16xf32, #tpu.memory_space<hbm>> -> memref<1x1x640x16xf32, #tpu.memory_space<hbm>>
      %dma_start3A_76 = tpu.memref_squeeze %dma_start3A_75 : memref<1x1x640x16xf32, #tpu.memory_space<hbm>> -> memref<640x16xf32, #tpu.memory_space<hbm>>
      %dma_start3A_77 = arith.constant 0 : i32
      %dma_start3A_78 = tpu.memref_slice %arg11[%multiple_of3A, %dma_start3A_77] : memref<10240x16xf32, #tpu.memory_space<vmem_shared>> -> memref<640x16xf32, #tpu.memory_space<vmem_shared>>
      tpu.enqueue_dma source(%dma_start3A_78 : memref<640x16xf32, #tpu.memory_space<vmem_shared>>) target(%dma_start3A_76 : memref<640x16xf32, #tpu.memory_space<hbm>>) target_semaphore(%run_scoped3A_73 : memref<!tpu.dma_semaphore, #tpu.memory_space<semaphore_mem>>)
      %dma_wait3A = arith.constant 0 : i32
      %dma_wait3A_79 = tpu.memref_slice %arg9[%run_scoped3A_72, %arg0, %multiple_of3A, %dma_wait3A] : memref<2x2x10240x16xf32, #tpu.memory_space<hbm>> -> memref<1x1x640x16xf32, #tpu.memory_space<hbm>>
      %dma_wait3A_80 = tpu.memref_squeeze %dma_wait3A_79 : memref<1x1x640x16xf32, #tpu.memory_space<hbm>> -> memref<640x16xf32, #tpu.memory_space<hbm>>
      %dma_wait3A_81 = arith.constant 0 : i32
      %dma_wait3A_82 = tpu.memref_slice %arg11[%multiple_of3A, %dma_wait3A_81] : memref<10240x16xf32, #tpu.memory_space<vmem_shared>> -> memref<640x16xf32, #tpu.memory_space<vmem_shared>>
      tpu.wait_dma2 semaphore(%run_scoped3A_73 : memref<!tpu.dma_semaphore, #tpu.memory_space<semaphore_mem>>) src(%dma_wait3A_82 : memref<640x16xf32, #tpu.memory_space<vmem_shared>>) dst(%dma_wait3A_80 : memref<640x16xf32, #tpu.memory_space<hbm>>)
      tpu.yield
    }) : () -> ()
    return
  }
}

module attributes {stable_mosaic.version = 14 : i64} {
  func.func @body(%arg0: i32, %arg1: memref<400x256xf32, #tpu.memory_space<vmem>>, %arg2: memref<256x256xf32, #tpu.memory_space<vmem>>, %arg3: memref<1x256xf32, #tpu.memory_space<vmem>>, %arg4: memref<400x256xf32, #tpu.memory_space<vmem>>) attributes {dimension_semantics = [#tpu.dimension_semantics<arbitrary>], iteration_bounds = array<i64: 25>, scalar_prefetch = 0 : i64, scratch_operands = 0 : i64, tpu.core_type = #tpu.core_type<tc>, window_params = [{transform_indices = @transform_0, window_bounds = array<i64: 400, 256>}, {pipeline_mode = #tpu.pipeline_mode<synchronous>, transform_indices = @transform_1, window_bounds = array<i64: 256, 256>}, {pipeline_mode = #tpu.pipeline_mode<synchronous>, transform_indices = @transform_2, window_bounds = array<i64: 1, 256>}, {transform_indices = @transform_3, window_bounds = array<i64: 400, 256>}]} {
    %get3A = arith.constant 0 : index
    %get3A_0 = arith.constant 0 : index
    %get3A_1 = vector.load %arg1[%get3A, %get3A_0] : memref<400x256xf32, #tpu.memory_space<vmem>>, vector<400x256xf32>
    %get3A_2 = arith.constant 0 : index
    %get3A_3 = arith.constant 0 : index
    %get3A_4 = vector.load %arg2[%get3A_2, %get3A_3] : memref<256x256xf32, #tpu.memory_space<vmem>>, vector<256x256xf32>
    %dot_general3A = arith.constant dense<0.000000e+00> : vector<400x256xf32>
    %dot_general3A_5 = tpu.matmul %get3A_1, %get3A_4, %dot_general3A {dimension_numbers = #tpu.dot_dimension_numbers<[1], [0], [0], [1], [0, 0, 1, 1], [], []>, precision = #tpu.contract_precision<fp32>, transpose_lhs_hint = false} : vector<400x256xf32>, vector<256x256xf32>, vector<400x256xf32> -> vector<400x256xf32>
    %get3A_6 = arith.constant 0 : index
    %get3A_7 = arith.constant 0 : index
    %get3A_8 = vector.load %arg3[%get3A_6, %get3A_7] : memref<1x256xf32, #tpu.memory_space<vmem>>, vector<1x256xf32>
    %add3A = vector.broadcast %get3A_8 : vector<1x256xf32> to vector<400x256xf32>
    %add3A_9 = arith.addf %dot_general3A_5, %add3A : vector<400x256xf32>
    %swap3A = arith.constant 0 : index
    %swap3A_10 = arith.constant 0 : index
    %swap3A_11 = vector.load %arg4[%swap3A, %swap3A_10] : memref<400x256xf32, #tpu.memory_space<vmem>>, vector<400x256xf32>
    tpu.vector_store %arg4[%swap3A, %swap3A_10], %add3A_9 {strides = array<i32>} : memref<400x256xf32, #tpu.memory_space<vmem>>, vector<400x256xf32>,
    return
  }
  func.func @transform_0(%arg0: i32) -> (i32, i32) {
    %c0_i32 = arith.constant 0 : i32
    %c0_i32_0 = arith.constant 0 : i32
    return %arg0, %c0_i32 : i32, i32
  }
  func.func @transform_1(%arg0: i32) -> (i32, i32) {
    %c0_i32 = arith.constant 0 : i32
    %c0_i32_0 = arith.constant 0 : i32
    %c0_i32_1 = arith.constant 0 : i32
    return %c0_i32, %c0_i32_0 : i32, i32
  }
  func.func @transform_2(%arg0: i32) -> (i32, i32) {
    %c0_i32 = arith.constant 0 : i32
    %c0_i32_0 = arith.constant 0 : i32
    %c0_i32_1 = arith.constant 0 : i32
    return %c0_i32, %c0_i32_0 : i32, i32
  }
  func.func @transform_3(%arg0: i32) -> (i32, i32) {
    %c0_i32 = arith.constant 0 : i32
    %c0_i32_0 = arith.constant 0 : i32
    return %arg0, %c0_i32 : i32, i32
  }
}

module attributes {stable_mosaic.version = 14 : i64} {
  func.func @body(%arg0: i32, %arg1: memref<2x2x400x128xf32, #tpu.memory_space<vmem>>, %arg2: memref<2x2x400x16xf32, #tpu.memory_space<vmem>>, %arg3: memref<400x256xf32, #tpu.memory_space<vmem>>, %arg4: memref<256x256xf32, #tpu.memory_space<vmem>>, %arg5: memref<256x256xf32, #tpu.memory_space<vmem>>, %arg6: memref<400x256xf32, #tpu.memory_space<vmem>>) attributes {dimension_semantics = [#tpu.dimension_semantics<arbitrary>], iteration_bounds = array<i64: 25>, scalar_prefetch = 0 : i64, scratch_operands = 0 : i64, tpu.core_type = #tpu.core_type<tc>, window_params = [{transform_indices = @transform_0, window_bounds = array<i64: 2, 2, 400, 128>}, {transform_indices = @transform_1, window_bounds = array<i64: 2, 2, 400, 16>}, {transform_indices = @transform_2, window_bounds = array<i64: 400, 256>}, {pipeline_mode = #tpu.pipeline_mode<synchronous>, transform_indices = @transform_3, window_bounds = array<i64: 256, 256>}, {pipeline_mode = #tpu.pipeline_mode<synchronous>, transform_indices = @transform_4, window_bounds = array<i64: 256, 256>}, {transform_indices = @transform_5, window_bounds = array<i64: 400, 256>}]} {
    %get3A = arith.constant 0 : index
    %get3A_0 = arith.constant 0 : index
    %get3A_1 = vector.load %arg3[%get3A, %get3A_0] : memref<400x256xf32, #tpu.memory_space<vmem>>, vector<400x256xf32>
    %get3A_2 = arith.constant 0 : index
    %get3A_3 = arith.constant 0 : index
    %get3A_4 = arith.constant 0 : index
    %get3A_5 = arith.constant 0 : index
    %get3A_6 = vector.load %arg2[%get3A_2, %get3A_3, %get3A_4, %get3A_5] : memref<2x2x400x16xf32, #tpu.memory_space<vmem>>, vector<1x1x400x1xf32>
    %get3A_7 = vector.shape_cast %get3A_6 : vector<1x1x400x1xf32> to vector<400x1xf32>
    %max3A = arith.constant 1.000000e+00 : f32
    %max3A_8 = vector.broadcast %max3A : f32 to vector<400x1xf32>
    %max3A_9 = arith.maximumf %get3A_7, %max3A_8 : vector<400x1xf32>
    %div3A = arith.constant 5.000000e-01 : f32
    %div3A_10 = vector.broadcast %div3A : f32 to vector<400x1xf32>
    %div3A_11 = arith.divf %div3A_10, %max3A_9 : vector<400x1xf32>
    %get3A_12 = arith.constant 0 : index
    %get3A_13 = arith.constant 0 : index
    %get3A_14 = arith.constant 0 : index
    %get3A_15 = arith.constant 0 : index
    %get3A_16 = vector.load %arg1[%get3A_12, %get3A_13, %get3A_14, %get3A_15] : memref<2x2x400x128xf32, #tpu.memory_space<vmem>>, vector<1x1x400x128xf32>
    %get3A_17 = vector.shape_cast %get3A_16 : vector<1x1x400x128xf32> to vector<400x128xf32>
    %mul3A = vector.broadcast %div3A_11 : vector<400x1xf32> to vector<400x128xf32>
    %mul3A_18 = arith.mulf %get3A_17, %mul3A : vector<400x128xf32>
    %get3A_19 = arith.constant 0 : index
    %get3A_20 = arith.constant 0 : index
    %get3A_21 = vector.load %arg4[%get3A_19, %get3A_20] : memref<256x256xf32, #tpu.memory_space<vmem>>, vector<128x256xf32>
    %dot_general3A = arith.constant dense<0.000000e+00> : vector<400x256xf32>
    %dot_general3A_22 = tpu.matmul %mul3A_18, %get3A_21, %dot_general3A {dimension_numbers = #tpu.dot_dimension_numbers<[1], [0], [0], [1], [0, 0, 1, 1], [], []>, precision = #tpu.contract_precision<fp32>, transpose_lhs_hint = false} : vector<400x128xf32>, vector<128x256xf32>, vector<400x256xf32> -> vector<400x256xf32>
    %add3A = arith.addf %get3A_1, %dot_general3A_22 : vector<400x256xf32>
    %get3A_23 = arith.constant 0 : index
    %get3A_24 = arith.constant 1 : index
    %get3A_25 = arith.constant 0 : index
    %get3A_26 = arith.constant 0 : index
    %get3A_27 = vector.load %arg1[%get3A_23, %get3A_24, %get3A_25, %get3A_26] : memref<2x2x400x128xf32, #tpu.memory_space<vmem>>, vector<1x1x400x128xf32>
    %get3A_28 = vector.shape_cast %get3A_27 : vector<1x1x400x128xf32> to vector<400x128xf32>
    %mul3A_29 = vector.broadcast %div3A_11 : vector<400x1xf32> to vector<400x128xf32>
    %mul3A_30 = arith.mulf %get3A_28, %mul3A_29 : vector<400x128xf32>
    %get3A_31 = arith.constant 128 : index
    %get3A_32 = arith.constant 0 : index
    %get3A_33 = vector.load %arg4[%get3A_31, %get3A_32] : memref<256x256xf32, #tpu.memory_space<vmem>>, vector<128x256xf32>
    %dot_general3A_34 = arith.constant dense<0.000000e+00> : vector<400x256xf32>
    %dot_general3A_35 = tpu.matmul %mul3A_30, %get3A_33, %dot_general3A_34 {dimension_numbers = #tpu.dot_dimension_numbers<[1], [0], [0], [1], [0, 0, 1, 1], [], []>, precision = #tpu.contract_precision<fp32>, transpose_lhs_hint = false} : vector<400x128xf32>, vector<128x256xf32>, vector<400x256xf32> -> vector<400x256xf32>
    %add3A_36 = arith.addf %add3A, %dot_general3A_35 : vector<400x256xf32>
    %get3A_37 = arith.constant 1 : index
    %get3A_38 = arith.constant 0 : index
    %get3A_39 = arith.constant 0 : index
    %get3A_40 = arith.constant 0 : index
    %get3A_41 = vector.load %arg2[%get3A_37, %get3A_38, %get3A_39, %get3A_40] : memref<2x2x400x16xf32, #tpu.memory_space<vmem>>, vector<1x1x400x1xf32>
    %get3A_42 = vector.shape_cast %get3A_41 : vector<1x1x400x1xf32> to vector<400x1xf32>
    %max3A_43 = arith.constant 1.000000e+00 : f32
    %max3A_44 = vector.broadcast %max3A_43 : f32 to vector<400x1xf32>
    %max3A_45 = arith.maximumf %get3A_42, %max3A_44 : vector<400x1xf32>
    %div3A_46 = arith.constant 5.000000e-01 : f32
    %div3A_47 = vector.broadcast %div3A_46 : f32 to vector<400x1xf32>
    %div3A_48 = arith.divf %div3A_47, %max3A_45 : vector<400x1xf32>
    %get3A_49 = arith.constant 1 : index
    %get3A_50 = arith.constant 0 : index
    %get3A_51 = arith.constant 0 : index
    %get3A_52 = arith.constant 0 : index
    %get3A_53 = vector.load %arg1[%get3A_49, %get3A_50, %get3A_51, %get3A_52] : memref<2x2x400x128xf32, #tpu.memory_space<vmem>>, vector<1x1x400x128xf32>
    %get3A_54 = vector.shape_cast %get3A_53 : vector<1x1x400x128xf32> to vector<400x128xf32>
    %mul3A_55 = vector.broadcast %div3A_48 : vector<400x1xf32> to vector<400x128xf32>
    %mul3A_56 = arith.mulf %get3A_54, %mul3A_55 : vector<400x128xf32>
    %get3A_57 = arith.constant 0 : index
    %get3A_58 = arith.constant 0 : index
    %get3A_59 = vector.load %arg5[%get3A_57, %get3A_58] : memref<256x256xf32, #tpu.memory_space<vmem>>, vector<128x256xf32>
    %dot_general3A_60 = arith.constant dense<0.000000e+00> : vector<400x256xf32>
    %dot_general3A_61 = tpu.matmul %mul3A_56, %get3A_59, %dot_general3A_60 {dimension_numbers = #tpu.dot_dimension_numbers<[1], [0], [0], [1], [0, 0, 1, 1], [], []>, precision = #tpu.contract_precision<fp32>, transpose_lhs_hint = false} : vector<400x128xf32>, vector<128x256xf32>, vector<400x256xf32> -> vector<400x256xf32>
    %add3A_62 = arith.addf %add3A_36, %dot_general3A_61 : vector<400x256xf32>
    %get3A_63 = arith.constant 1 : index
    %get3A_64 = arith.constant 1 : index
    %get3A_65 = arith.constant 0 : index
    %get3A_66 = arith.constant 0 : index
    %get3A_67 = vector.load %arg1[%get3A_63, %get3A_64, %get3A_65, %get3A_66] : memref<2x2x400x128xf32, #tpu.memory_space<vmem>>, vector<1x1x400x128xf32>
    %get3A_68 = vector.shape_cast %get3A_67 : vector<1x1x400x128xf32> to vector<400x128xf32>
    %mul3A_69 = vector.broadcast %div3A_48 : vector<400x1xf32> to vector<400x128xf32>
    %mul3A_70 = arith.mulf %get3A_68, %mul3A_69 : vector<400x128xf32>
    %get3A_71 = arith.constant 128 : index
    %get3A_72 = arith.constant 0 : index
    %get3A_73 = vector.load %arg5[%get3A_71, %get3A_72] : memref<256x256xf32, #tpu.memory_space<vmem>>, vector<128x256xf32>
    %dot_general3A_74 = arith.constant dense<0.000000e+00> : vector<400x256xf32>
    %dot_general3A_75 = tpu.matmul %mul3A_70, %get3A_73, %dot_general3A_74 {dimension_numbers = #tpu.dot_dimension_numbers<[1], [0], [0], [1], [0, 0, 1, 1], [], []>, precision = #tpu.contract_precision<fp32>, transpose_lhs_hint = false} : vector<400x128xf32>, vector<128x256xf32>, vector<400x256xf32> -> vector<400x256xf32>
    %add3A_76 = arith.addf %add3A_62, %dot_general3A_75 : vector<400x256xf32>
    %swap3A = arith.constant 0 : index
    %swap3A_77 = arith.constant 0 : index
    %swap3A_78 = vector.load %arg6[%swap3A, %swap3A_77] : memref<400x256xf32, #tpu.memory_space<vmem>>, vector<400x256xf32>
    tpu.vector_store %arg6[%swap3A, %swap3A_77], %add3A_76 {strides = array<i32>} : memref<400x256xf32, #tpu.memory_space<vmem>>, vector<400x256xf32>,
    return
  }
  func.func @transform_0(%arg0: i32) -> (i32, i32, i32, i32) {
    %c0_i32 = arith.constant 0 : i32
    %c0_i32_0 = arith.constant 0 : i32
    %c0_i32_1 = arith.constant 0 : i32
    %c0_i32_2 = arith.constant 0 : i32
    return %c0_i32, %c0_i32_0, %arg0, %c0_i32_1 : i32, i32, i32, i32
  }
  func.func @transform_1(%arg0: i32) -> (i32, i32, i32, i32) {
    %c0_i32 = arith.constant 0 : i32
    %c0_i32_0 = arith.constant 0 : i32
    %c0_i32_1 = arith.constant 0 : i32
    %c0_i32_2 = arith.constant 0 : i32
    return %c0_i32, %c0_i32_0, %arg0, %c0_i32_1 : i32, i32, i32, i32
  }
  func.func @transform_2(%arg0: i32) -> (i32, i32) {
    %c0_i32 = arith.constant 0 : i32
    %c0_i32_0 = arith.constant 0 : i32
    return %arg0, %c0_i32 : i32, i32
  }
  func.func @transform_3(%arg0: i32) -> (i32, i32) {
    %c0_i32 = arith.constant 0 : i32
    %c0_i32_0 = arith.constant 0 : i32
    %c0_i32_1 = arith.constant 0 : i32
    return %c0_i32, %c0_i32_0 : i32, i32
  }
  func.func @transform_4(%arg0: i32) -> (i32, i32) {
    %c0_i32 = arith.constant 0 : i32
    %c0_i32_0 = arith.constant 0 : i32
    %c0_i32_1 = arith.constant 0 : i32
    return %c0_i32, %c0_i32_0 : i32, i32
  }
  func.func @transform_5(%arg0: i32) -> (i32, i32) {
    %c0_i32 = arith.constant 0 : i32
    %c0_i32_0 = arith.constant 0 : i32
    return %arg0, %c0_i32 : i32, i32
  }
}

</mosaic_0001>

<sc_bundles>
// kernel: kernel.5.cloned.1.call-start
scs
__scs_entry_jumppad:
0x0: {  	(pc) =	sbr.rel $0x88, $3  }
0x1: {  	(tag) =	ssettag $0x0;
	lr =	simm.s32 $0x1  }
0x2: {  	[smem:$0x3F99] =	sst lr;
	_ =	strace $0xD0000000  }
0x3: {  	_ = 	snop  }
0x4: {  	_ = 	snop  }
0x5: {  	_ = 	snop  }
0x6: {  	_ = 	snop  }
0x7: {  	_ = 	snop  }
__scs_overlays_trampoline_lowered:
0x8: {  	[smem:$0x3FA8] =	sst s0  }
0x9: {  	[smem:$0x3FA9] =	sst s1  }
0xa: {  	[smem:$0x3FAA] =	sst s2  }
0xb: {  	[smem:$0x3FAB] =	sst s3  }
0xc: {  	[smem:$0x3FAC] =	sst s4  }
0xd: {  	[smem:$0x3FAD] =	sst s5  }
0xe: {  	[smem:$0x3FAE] =	sst s6  }
0xf: {  	[smem:$0x3FAF] =	sst s7  }
0x10: {  	[smem:$0x3FB0] =	sst s8  }
0x11: {  	[smem:$0x3FB1] =	sst s9;
	s0 =	simm.s32 @!p0 $0x0  }
0x12: {  	s1 =	sld [smem:$0x3F97];
	s0 =	simm.s32 @p0 $0x1  }
0x13: {  	[smem:$0x3FB2] =	sst s0;
	s0 =	simm.s32 @!p1 $0x0  }
0x14: {  	s2 =	sld [smem:$0x3F96];
	s0 =	simm.s32 @p1 $0x1  }
0x15: {  	[smem:$0x3FB3] =	sst s0;
	s0 =	simm.s32 @!p2 $0x0  }
0x16: {  	s3 =	sld [smem:$0x3FDB];
	s0 =	simm.s32 @p2 $0x1  }
0x17: {  	s4 =	simm.s32 $0x1BF5;
	[smem:$0x3FB5] =	sst s0  }
0x18: {  	s0 =	sld [smem:$0x3F98];
	_ =	swait.ge [sflag:s4], $0x0  }
0x19: {  	s7 =	sld [smem:$0x3F99]  }
0x1a: {  	s8 =	sadd.s32 $0xFFFFE003, lr  }
0x1b: {  	s9 =	sadd.s32 $0xFFFFFEF7, lr;
	s5 =	simm.s32 $0xFFFFFFFF;
	p2 =	slt.u32 s8, $0xFFFFF086  }
0x1c: {  	p1 =	slt.u32 s9, $0xF7A;
	s5 =	simm.s32 @!p2 $0x0  }
0x1d: {  	s5 =	simm.s32 @p1 $0x1;
	p0 =	seq.s32 s7, s2  }
0x1e: {  	s7 =	smul.u32 @!p0 $0xF7A, s2;
	p2 =	seq.s32 @!p0 s5, $0x0  }
0x1f: {  	s9 =	smul.u32 $0xF7A, s1;
	s8 =	simm.s32 @!p0 $0x1BF5;
	p2 =	por !p2, p0  }
0x20: {  	[sflag:s8] =	ssyncset.s32 @!p0 $0xFFFFF086;
	s6 =	sadd.s32 @!p0 s3, s7;
	s7 =	simm.s32 @!p0 $0x108  }
0x21: {  	s3 =	sadd.s32 s3, s9;
	s6 =	sadd.s32 @!p0 $0x88, s6;
	s7 =	simm.s32 @p2 $0x1082  }
0x22: {  	[simem:s7], [sflag:s8] =	dma.local @!p0 [hbm:s6], $0xF7A  }
0x23: {  	s9 =	sor.u32 $0xD0000000, s2;
	s6 =	simm.s32 $0x108;
	_ =	swait.ge @!p0 [sflag:s8], $0x0  }
0x24: {  	s3 =	sadd.s32 $0x88, s3;
	s6 =	simm.s32 @!p1 $0x1082;
	[sflag:s4] =	ssyncset.s32 $0xFFFFF086  }
0x25: {  	[simem:s6], [sflag:s4] =	dma.local [hbm:s3], $0xF7A  }
0x26: {  	[smem:$0x3F99] =	sst s1;
	(tag) =	ssettag s2;
	_ =	strace s9  }
0x27: {  	s1 =	sld [smem:$0x3FA9]  }
0x28: {  	s2 =	sld [smem:$0x3FAA]  }
0x29: {  	s4 =	sld [smem:$0x3FAC]  }
0x2a: {  	p0 =	seq.s32 s5, $0x0;
	s5 =	sld [smem:$0x3FAD]  }
0x2b: {  	s6 =	sld [smem:$0x3FAE]  }
0x2c: {  	s7 =	sld [smem:$0x3FAF]  }
0x2d: {  	s3 =	simm.s32 $0x108;
	s8 =	sld [smem:$0x3FB0]  }
0x2e: {  	s3 =	simm.s32 @!p0 $0x1082;
	s9 =	sld [smem:$0x3FB1]  }
0x2f: {  	lr =	sadd.s32 s0, s3;
	s0 =	sld [smem:$0x3FA8]  }
0x30: {  	s3 =	sld [smem:$0x3FAB]  }
0x31: {  	[smem:$0x3FB4] =	sst s10  }
0x32: {  	s10 =	sld [smem:$0x3FB2];
	_ =	sdelay $0x3  }
0x33: {  	p0 =	seq.s32 s10, $0x1;
	s10 =	sld [smem:$0x3FB4];
	_ =	sdelay $0x3  }
0x34: {  	[smem:$0x3FB4] =	sst s10  }
0x35: {  	s10 =	sld [smem:$0x3FB3];
	_ =	sdelay $0x3  }
0x36: {  	p1 =	seq.s32 s10, $0x1;
	s10 =	sld [smem:$0x3FB4];
	_ =	sdelay $0x3  }
0x37: {  	[smem:$0x3FB4] =	sst s10  }
0x38: {  	s10 =	sld [smem:$0x3FB5]  }
0x39: {  	_ = 	snop;
	(pc) =	sbr.ind lr, $3  }
0x3a: {  	_ = 	snop  }
0x3b: {  	_ = 	snop  }
0x3c: {  	p2 =	seq.s32 s10, $0x1;
	s10 =	sld [smem:$0x3FB4]  }
0x3d: {  	_ =	shalt  }
0x3e: {  	_ =	shalt  }
0x3f: {  	_ =	shalt  }
0x40: {  	_ =	shalt  }
0x41: {  	_ =	shalt  }
0x42: {  	_ =	shalt  }
0x43: {  	_ =	shalt  }
0x44: {  	_ =	shalt  }
0x45: {  	_ =	shalt  }
0x46: {  	_ =	shalt  }
0x47: {  	_ =	shalt  }
0x48: {  	_ =	shalt  }
0x49: {  	_ =	shalt  }
0x4a: {  	_ =	shalt  }
0x4b: {  	_ =	shalt  }
0x4c: {  	_ =	shalt  }
0x4d: {  	_ =	shalt  }
0x4e: {  	_ =	shalt  }
0x4f: {  	_ =	shalt  }
0x50: {  	_ =	shalt  }
0x51: {  	_ =	shalt  }
0x52: {  	_ =	shalt  }
0x53: {  	_ =	shalt  }
0x54: {  	_ =	shalt  }
0x55: {  	_ =	shalt  }
0x56: {  	_ =	shalt  }
0x57: {  	_ =	shalt  }
0x58: {  	_ =	shalt  }
0x59: {  	_ =	shalt  }
0x5a: {  	_ =	shalt  }
0x5b: {  	_ =	shalt  }
0x5c: {  	_ =	shalt  }
0x5d: {  	_ =	shalt  }
0x5e: {  	_ =	shalt  }
0x5f: {  	_ =	shalt  }
0x60: {  	_ =	shalt  }
0x61: {  	_ =	shalt  }
0x62: {  	_ =	shalt  }
0x63: {  	_ =	shalt  }
0x64: {  	_ =	shalt  }
0x65: {  	_ =	shalt  }
0x66: {  	_ =	shalt  }
0x67: {  	_ =	shalt  }
0x68: {  	_ =	shalt  }
0x69: {  	_ =	shalt  }
0x6a: {  	_ =	shalt  }
0x6b: {  	_ =	shalt  }
0x6c: {  	_ =	shalt  }
0x6d: {  	_ =	shalt  }
0x6e: {  	_ =	shalt  }
0x6f: {  	_ =	shalt  }
0x70: {  	_ =	shalt  }
0x71: {  	_ =	shalt  }
0x72: {  	_ =	shalt  }
0x73: {  	_ =	shalt  }
0x74: {  	_ =	shalt  }
0x75: {  	_ =	shalt  }
0x76: {  	_ =	shalt  }
0x77: {  	_ =	shalt  }
0x78: {  	_ =	shalt  }
0x79: {  	_ =	shalt  }
0x7a: {  	_ =	shalt  }
0x7b: {  	_ =	shalt  }
0x7c: {  	_ =	shalt  }
0x7d: {  	_ =	shalt  }
0x7e: {  	_ =	shalt  }
0x7f: {  	_ =	shalt  }
0x80: {  	_ =	shalt  }
0x81: {  	_ =	shalt  }
0x82: {  	_ =	shalt  }
0x83: {  	_ =	shalt  }
0x84: {  	_ =	shalt  }
0x85: {  	_ =	shalt  }
0x86: {  	_ =	shalt  }
0x87: {  	_ =	shalt  }
.Lfunc_end0:
.L_simem_size_0:
called_computation_lowered:
.L_overlay_start_0:
0x88: {  	s2 =	sld [smem:$0x3FD9]  }
0x89: {  	s3 =	sld [smem:$0x3FFE];
	_ =	sdelay $0x1  }
0x8a: {  	s1 =	srdreg.scid  }
0x8b: {  	s0 =	sand.u32 $0x1, s1  }
0x8c: {  	s17 =	sshll.u32 s0, $0xA;
	s2 =	sadd.s32 s3, s2  }
0x8d: {  	s2 =	sadd.s32 s2, s17  }
0x8e: {  	[smem:$0x3FC0] =	sst s2  }
0x8f: {  	_ = 	snop  }
0x90: {  	s2 =	sld [smem:$0x3FD0];
	(tm) =	ssettm $0x1  }
0x91: {  	s18 =	sld [smem:$0x3FFB];
	_ =	sdelay $0x3  }
0x92: {  	_ =	strace s18  }
0x93: {  	s3 =	sld [smem:$0x3FFC];
	_ =	sdelay $0x3  }
0x94: {  	_ =	strace s3  }
0x95: {  	s3 =	sld [smem:$0x3FFD];
	_ =	sdelay $0x3  }
0x96: {  	_ =	strace s3  }
0x97: {  	_ =	strace $0x8FFFFFFF  }
0x98: {  	s19 =	sld [smem:$0x3FDB];
	_ =	sdelay $0x1  }
0x99: {  	s4 =	simm.s32 $_scs_section_size  }
0x9a: {  	s5 =	simm.s32 $_size__tile_overlayer_lowered;
	s6 =	simm.s32 $_tile_overlayer_lowered  }
0x9b: {  	s22 =	simm.s32 $0x1BFF;
	s21 =	sshll.u32 s6, $0x1;
	s3 =	sadd.s32 s4, s19  }
0x9c: {  	s7 =	simm.s32 $0x0;
	s20 =	sshll.u32 s5, $0x1;
	s5 =	sadd.s32 s21, s3  }
0x9d: {  	[timem:s7], [sflag:s22] =	dma.local [hbm:s5], s20  }
0x9e: {  	_ =	swait.ge [sflag:s22], s20  }
0x9f: {  	s4 =	ssub.s32 $0x0, s20;
	[sflag:s22] =	ssyncset.done $0x0  }
0xa0: {  	[sflag:s22] =	ssyncadd.s32 s4;
	_ =	sdelay $0x1  }
0xa1: {  	s23 =	simm.s32 $0x1B8B  }
0xa2: {  	_ =	swait.ge [sflag:s23], $0x1  }
0xa3: {  	[sflag:s23] =	ssyncset.done $0x0  }
0xa4: {  	s25 =	simm.s32 $0x1B8E;
	s24 =	sld [smem:$0x3FFE];
	[sflag:s23] =	ssyncadd.s32 $0xFFFFFFFF  }
0xa5: {  	s26 =	simm.s32 $execute0_lowered;
	[smem:$0x3FD2] =	sst s25  }
0xa6: {  	s5 =	sshll.u32 s26, $0x1;
	_ =	strace $0x80000046;
	[dreg:$0x1] =	wrdreg $0xFFFFFFFF  }
0xa7: {  	s28 =	simm.s32 $_size_execute0_lowered;
	s3 =	sadd.s32 s3, s5;
	[dreg:$0x0] =	wrdreg $0x0  }
0xa8: {  	s5 =	sshll.u32 s28, $0x1;
	[dreg:$0x2] =	wrdreg s3  }
0xa9: {  	[dreg:$0x3] =	wrdreg s5  }
0xaa: {  	[dreg:$0x4] =	wrdreg $0xC0  }
0xab: {  	_ =	task [dreg:s7], $0x5FFFF  }
0xac: {  	[dreg:$0x1] =	wrdreg $0xFFFFFFFF  }
0xad: {  	[dreg:$0x0] =	wrdreg $0x60  }
0xae: {  	[dreg:$0x2] =	wrdreg s2  }
0xaf: {  	[dreg:$0x3] =	wrdreg s24  }
0xb0: {  	[dreg:$0x4] =	wrdreg $0x0  }
0xb1: {  	[dreg:$0x5] =	wrdreg $0x140000  }
0xb2: {  	[dreg:$0x6] =	wrdreg $0x9  }
0xb3: {  	_ =	task.clear_ibuf [dreg:s7], $0x7FFFF;
	_ =	strace $0x90000046  }
0xb4: {  	s29 =	simm.s32 $0x9;
	_ =	strace $0x80000048  }
0xb5: {  	_ =	swait.ge [sflag:s29], $0x1  }
0xb6: {  	[sflag:s29] =	ssyncadd.s32 $0xFFFFFFFF  }
0xb7: {  	_ =	strace $0x90000048  }
0xb8: {  	_ =	sfence  }
0xb9: {  	s30 =	sld [smem:$0x0];
	_ =	sdelay $0x2  }
0xba: {  	s31 =	sshll.u32 s1, $0xD;
	s1 =	sshrl.u32 s1, $0x2  }
0xbb: {  	s3 =	sand.u32 $0x4000, s31;
	s1 =	sadd.s32 s1, s30  }
0xbc: {  	s0 =	sor.u32 s3, s0;
	s1 =	sshll.u32 s1, $0x11  }
0xbd: {  	s0 =	sor.u32 s1, s0  }
0xbe: {  	s0 =	sadd.s32 $0x8F2B, s0  }
0xbf: {  	[sflag:s0] =	ssyncadd.remote.s32 $0x1  }
0xc0: {  	_ =	sfence.sel $0xFFFF  }
0xc1: {  	[dreg:$0x0] =	wrdreg $0xFFFFFFFF;
	(pc) =	sbr.abs _section_cstart, $3  }
0xc2: {  	[dreg:$0x1] =	wrdreg $0xFFFFFFFF  }
0xc3: {  	_ =	task.clear_ibuf [dreg:s7], $0x2FFFF;
	_ =	strace $0x9FFFFFFF  }
0xc4: {  	(tm) =	ssettm $0x7FFFFFFF  }
0xc5: {  	_ =	shalt  }
tec
execute0_lowered:
.L_overlay_start_1:
0x0: {  	(tag) =	ssettag $0x1  }
0x1: {  	s0 =	rddreg [dreg:$0x0]  }
0x2: {  	s1 =	rddreg [dreg:$0x1]  }
0x3: {  	s3 =	rddreg [dreg:$0x2];
	s2 =	srdreg.scid  }
0x4: {  	s4 =	rddreg [dreg:$0x3];
	s7 =	stileid.u32  }
0x5: {  	s8 =	simm.s32 $0x0;
	s28 =	simm.s32 $0x1C800;
	s30 =	simm.s32 $0x1D800  }
0x6: {  	s14 =	simm.s32 $0x1F000;
	s15 =	simm.s32 $0x5;
	s6 =	smul.u32 $0x2780, s7  }
0x7: {  	s2 =	sand.u32 $0x1, s2;
	[smem:$0x7FF] =	sst s8;
	s16 =	smul.u32 $0x14000, s7  }
0x8: {  	s10 =	smul.u32 $0x2800, s7;
	s17 =	sadd.s32 $0x20000, s1;
	s18 =	sadd.s32 $0x1FA00, s1  }
0x9: {  	s5 =	smul.u32 $0x27800, s2;
	_ =	strace $0x80000047;
	[dreg:$0x5] =	wrdreg s17  }
0xa: {  	s19 =	sadd.s32 $0x1E00, s1;
	s9 =	smul.u32 $0x140000, s2;
	[dreg:$0x6] =	wrdreg s18  }
0xb: {  	s8 =	simm.s32 $0x1C000;
	s12 =	smul.u32 $0x28000, s2;
	[dreg:$0x7] =	wrdreg s19  }
0xc: {  	s2 =	ssub.s32 $0x2, s2;
	s17 =	simm.s32 $0x8;
	s18 =	simm.s32 $0x0  }
0xd: {  	s13 =	sshrl.u32 s2, $0x1;
	s20 =	sadd.s32 s16, s3;
	s21 =	sadd.s32 s10, s4  }
0xe: {  	s5 =	sadd.s32 s6, s5;
	s6 =	sshrl.u32 s6, $0x3;
	s9 =	sadd.s32 s16, s9  }
0xf: {  	s12 =	sadd.s32 s10, s12;
	s2 =	ssub.s32 s2, s13;
	[dreg:$0x8] =	wrdreg s20  }
0x10: {  	[dreg:$0x9] =	wrdreg s21;
	s20 =	simm.s32 $0x1B700;
	s21 =	simm.s32 $0xA  }
0x11: {  	s10 =	simm.s32 $0x1D000;
	s13 =	simm.s32 $0x4;
	s5 =	sshrl.u32 s5, $0x3  }
0x12: {  	s11 =	sadd.s32 s6, s1;
	s9 =	sshrl.u32 s9, $0x3;
	s31 =	smax.u32 s2, $0x1  }
0x13: {  	s12 =	sshrl.u32 s12, $0x3;
	s23 =	sadd.s32 $0x2000, s11;
	[dreg:$0x12] =	wrdreg s31  }
0x14: {  	s5 =	sadd.s32 s5, s1;
	s26 =	sadd.s32 $0x6F00, s11;
	[dreg:$0xb] =	wrdreg s23  }
0x15: {  	s9 =	sadd.s32 s9, s1;
	s22 =	sadd.s32 $0xBE00, s5;
	[dreg:$0xf] =	wrdreg s26  }
0x16: {  	s1 =	sadd.s32 s12, s1;
	s24 =	sadd.s32 $0x36800, s9;
	[dreg:$0xa] =	wrdreg s22  }
0x17: {  	s16 =	simm.s32 $0x7;
	s25 =	sadd.s32 $0x22800, s1;
	[dreg:$0xc] =	wrdreg s24  }
0x18: {  	s2 =	simm.s32 $0x1;
	s5 =	sadd.s32 $0x15C00, s5;
	[dreg:$0xd] =	wrdreg s25  }
0x19: {  	s11 =	simm.s32 $0x3;
	s29 =	sadd.s32 $0x86800, s9;
	[dreg:$0xe] =	wrdreg s5  }
0x1a: {  	s12 =	simm.s32 $0x1E000;
	s1 =	sadd.s32 $0x2C800, s1;
	[dreg:$0x10] =	wrdreg s29  }
0x1b: {  	s9 =	simm.s32 $0x2;
	s23 =	simm.s32 $0x9;
	[dreg:$0x11] =	wrdreg s1  }
0x1c: {  	vm0 =	vmmov $0xffff;
	s24 =	simm.s32 $0x20;
	s25 =	simm.s32 $0x1B800;
	s1 =	simm.s32 $0x1E800  }
.LBB2_1:
0x1d: {  	s6 =	simm.s32 $0x0;
	s5 =	rddreg [dreg:$0x7]  }
0x1e: {  	[tilespmem:s20], [sflag:$0xA] =	stream.linear.gather [hbm4b:s5+s6], $0x100, $0x38;
	[tilespmem:$0x1F800] =	vst v63  }
0x1f: {  	s26 =	stileid.u32;
	_ =	swait.ge [sflag:s21], $0x100  }
0x20: {  	s5 =	sshll.u32 s26, $0x6;
	s7 =	rddreg [dreg:$0x8]  }
0x21: {  	[sflag:s21] =	ssyncset.done $0x0;
	s22 =	rddreg [dreg:$0x5];
	s7 =	sshrl.u32 s7, $0x3  }
0x22: {  	s19 =	sor.u32 $0x1C0A, s5;
	[sflag:s21] =	ssyncadd.s32 $0xFFFFFF00;
	[dreg:$0x13] =	wrdreg s7  }
0x23: {  	[spmem:s7], [sflag:s19] =	dma.local [hbm:s22], $0x2800  }
0x24: {  	_ =	swait.ge [sflag:s21], $0x2800  }
0x25: {  	[sflag:s21] =	ssyncset.done $0x0;
	s26 =	rddreg [dreg:$0x9]  }
0x26: {  	s7 =	rddreg [dreg:$0x6];
	[sflag:s21] =	ssyncadd.s32 $0xFFFFD800;
	s29 =	sshrl.u32 s26, $0x3  }
0x27: {  	[spmem:s29], [sflag:s19] =	dma.local [hbm:s7], $0x500  }
0x28: {  	_ =	swait.ge [sflag:s21], $0x500  }
0x29: {  	[sflag:s21] =	ssyncset.done $0x0  }
0x2a: {  	[sflag:s21] =	ssyncadd.s32 $0xFFFFFB00  }
0x2b: {  	[bflag:$0x0] =	sbarrier.arrive $0xFFFF  }
0x2c: {  	s7 =	simm.s32 $0x16800;
	s22 =	rddreg [dreg:$0xa]  }
0x2d: {  	[tilespmem:s7], [sflag:$0xA] =	stream.linear.gather [hbm4b:s22+s6], $0x2780, $0x38;
	[tilespmem:$0x1F800] =	vst v63  }
0x2e: {  	_ =	swait.ge [sflag:s21], $0x2780  }
0x2f: {  	[sflag:s21] =	ssyncset.done $0x0  }
0x30: {  	s22 =	simm.s32 $0x18F80;
	s26 =	rddreg [dreg:$0xb];
	[sflag:s21] =	ssyncadd.s32 $0xFFFFD880  }
0x31: {  	[tilespmem:s22], [sflag:$0xA] =	stream.linear.gather [hbm4b:s26+s6], $0x2780, $0x38;
	[tilespmem:$0x1F800] =	vst v63  }
0x32: {  	_ =	swait.ge [sflag:s21], $0x2780  }
0x33: {  	[sflag:s21] =	ssyncset.done $0x0  }
0x34: {  	[sflag:s21] =	ssyncadd.s32 $0xFFFFD880  }
0x35: {  	[tilespmem:s25], [sflag:$0x1] =	stream.indirect.gather [hbm4b:s0+s24], $0x80, s7, s24, $0xb8;
	[tilespmem:$0x1F800] =	vst v63  }
0x36: {  	s7 =	simm.s32 $0x16820  }
0x37: {  	[tilespmem:s28], [sflag:$0x2] =	stream.indirect.gather [hbm4b:s0+s24], $0x80, s7, s24, $0xb8;
	[tilespmem:$0x1F800] =	vst v63  }
0x38: {  	s22 =	simm.s32 $0x16840  }
0x39: {  	[tilespmem:s30], [sflag:$0x3] =	stream.indirect.gather [hbm4b:s0+s24], $0x80, s22, s24, $0xb8;
	[tilespmem:$0x1F800] =	vst v63  }
0x3a: {  	s31 =	simm.s32 $0x0;
	s26 =	simm.s32 $0x16860  }
0x3b: {  	[tilespmem:s1], [sflag:$0x4] =	stream.indirect.gather [hbm4b:s0+s24], $0x80, s26, s24, $0xb8;
	[tilespmem:$0x1F800] =	vst v63  }
.LBB2_2:
0x3c: {  	_ =	swait.ge [sflag:s2], $0x1000  }
0x3d: {  	[sflag:s2] =	ssyncset.done $0x0  }
0x3e: {  	s5 =	sshra.s32 s31, $0x2;
	[sflag:s2] =	ssyncadd.s32 $0xFFFFF000  }
0x3f: {  	v0 =	vld [tilespmem:s5+$0x18F80];
	_ =	sdelay $0x7  }
0x40: {  	[spmem:s3] =	stream.indirect_vreg.scatter.add.f32 [tilespmem:s25], [sflag:$0x5], $0x80, v0, vm0, $0xb8;
	[tilespmem:$0x1F800] =	vst v63  }
0x41: {  	_ = 	snop  }
0x42: {  	[spmem:s4] =	stream.indirect_vreg.scatter.add.f32 [tilespmem:s20], [sflag:$0x9], $0x10, v0, vm0, $0xb8;
	[tilespmem:$0x1F800] =	vst v63  }
0x43: {  	v0 =	vld [tilespmem:s5+$0x18F90];
	_ =	sdelay $0x7  }
0x44: {  	[spmem:s3] =	stream.indirect_vreg.scatter.add.f32 [tilespmem:s8], [sflag:$0x5], $0x80, v0, vm0, $0xb8;
	[tilespmem:$0x1F800] =	vst v63  }
0x45: {  	_ = 	snop  }
0x46: {  	[spmem:s4] =	stream.indirect_vreg.scatter.add.f32 [tilespmem:s20], [sflag:$0x9], $0x10, v0, vm0, $0xb8;
	[tilespmem:$0x1F800] =	vst v63  }
0x47: {  	_ =	swait.ge [sflag:s9], $0x1000  }
0x48: {  	[sflag:s9] =	ssyncset.done $0x0  }
0x49: {  	[sflag:s9] =	ssyncadd.s32 $0xFFFFF000  }
0x4a: {  	v61 =	vld [tilespmem:s5+$0x18FA0];
	_ =	sdelay $0x7  }
0x4b: {  	[spmem:s3] =	stream.indirect_vreg.scatter.add.f32 [tilespmem:s28], [sflag:$0x6], $0x80, v61, vm0, $0xb8;
	[tilespmem:$0x1F800] =	vst v63  }
0x4c: {  	_ = 	snop  }
0x4d: {  	[spmem:s4] =	stream.indirect_vreg.scatter.add.f32 [tilespmem:s20], [sflag:$0x9], $0x10, v61, vm0, $0xb8;
	[tilespmem:$0x1F800] =	vst v63  }
0x4e: {  	v0 =	vld [tilespmem:s5+$0x18FB0];
	_ =	sdelay $0x7  }
0x4f: {  	[spmem:s3] =	stream.indirect_vreg.scatter.add.f32 [tilespmem:s10], [sflag:$0x6], $0x80, v0, vm0, $0xb8;
	[tilespmem:$0x1F800] =	vst v63  }
0x50: {  	_ = 	snop  }
0x51: {  	[spmem:s4] =	stream.indirect_vreg.scatter.add.f32 [tilespmem:s20], [sflag:$0x9], $0x10, v0, vm0, $0xb8;
	[tilespmem:$0x1F800] =	vst v63  }
0x52: {  	_ =	swait.ge [sflag:s11], $0x1000  }
0x53: {  	[sflag:s11] =	ssyncset.done $0x0  }
0x54: {  	[sflag:s11] =	ssyncadd.s32 $0xFFFFF000  }
0x55: {  	v62 =	vld [tilespmem:s5+$0x18FC0];
	_ =	sdelay $0x7  }
0x56: {  	[spmem:s3] =	stream.indirect_vreg.scatter.add.f32 [tilespmem:s30], [sflag:$0x7], $0x80, v62, vm0, $0xb8;
	[tilespmem:$0x1F800] =	vst v63  }
0x57: {  	_ = 	snop  }
0x58: {  	[spmem:s4] =	stream.indirect_vreg.scatter.add.f32 [tilespmem:s20], [sflag:$0x9], $0x10, v62, vm0, $0xb8;
	[tilespmem:$0x1F800] =	vst v63  }
0x59: {  	v0 =	vld [tilespmem:s5+$0x18FD0];
	_ =	sdelay $0x7  }
0x5a: {  	[spmem:s3] =	stream.indirect_vreg.scatter.add.f32 [tilespmem:s12], [sflag:$0x7], $0x80, v0, vm0, $0xb8;
	[tilespmem:$0x1F800] =	vst v63  }
0x5b: {  	_ = 	snop  }
0x5c: {  	[spmem:s4] =	stream.indirect_vreg.scatter.add.f32 [tilespmem:s20], [sflag:$0x9], $0x10, v0, vm0, $0xb8;
	[tilespmem:$0x1F800] =	vst v63  }
0x5d: {  	_ =	swait.ge [sflag:s13], $0x1000  }
0x5e: {  	[sflag:s13] =	ssyncset.done $0x0  }
0x5f: {  	[sflag:s13] =	ssyncadd.s32 $0xFFFFF000  }
0x60: {  	v63 =	vld [tilespmem:s5+$0x18FE0];
	_ =	sdelay $0x7  }
0x61: {  	[spmem:s3] =	stream.indirect_vreg.scatter.add.f32 [tilespmem:s1], [sflag:$0x8], $0x80, v63, vm0, $0xb8;
	[tilespmem:$0x1F800] =	vst v63  }
0x62: {  	_ = 	snop  }
0x63: {  	[spmem:s4] =	stream.indirect_vreg.scatter.add.f32 [tilespmem:s20], [sflag:$0x9], $0x10, v63, vm0, $0xb8;
	[tilespmem:$0x1F800] =	vst v63  }
0x64: {  	v0 =	vld [tilespmem:s5+$0x18FF0];
	_ =	sdelay $0x7  }
0x65: {  	[spmem:s3] =	stream.indirect_vreg.scatter.add.f32 [tilespmem:s14], [sflag:$0x8], $0x80, v0, vm0, $0xb8;
	[tilespmem:$0x1F800] =	vst v63  }
0x66: {  	_ = 	snop  }
0x67: {  	[spmem:s4] =	stream.indirect_vreg.scatter.add.f32 [tilespmem:s20], [sflag:$0x9], $0x10, v0, vm0, $0xb8;
	[tilespmem:$0x1F800] =	vst v63  }
0x68: {  	_ =	swait.ge [sflag:s15], $0x800  }
0x69: {  	[sflag:s15] =	ssyncset.done $0x0  }
0x6a: {  	[sflag:s15] =	ssyncadd.s32 $0xFFFFF800  }
0x6b: {  	_ =	swait.ge [sflag:s15], $0x800  }
0x6c: {  	p0 =	seq.s32 s31, $0x9C00;
	[sflag:s15] =	ssyncset.done $0x0  }
0x6d: {  	s6 =	simm.s32 @p0 $0x6;
	[sflag:s15] =	ssyncadd.s32 $0xFFFFF800  }
0x6e: {  	_ =	swait.ge @p0 [sflag:s6], $0x800  }
0x6f: {  	[sflag:s6] =	ssyncset.done @p0 $0x0  }
0x70: {  	[sflag:s6] =	ssyncadd.s32 @p0 $0xFFFFF800  }
0x71: {  	_ =	swait.ge @p0 [sflag:s6], $0x800  }
0x72: {  	[sflag:s6] =	ssyncset.done @p0 $0x0  }
0x73: {  	[sflag:s6] =	ssyncadd.s32 @p0 $0xFFFFF800;
	s6 =	sshra.s32 @!p0 s31, $0x2  }
0x74: {  	s22 =	simm.s32 @!p0 $0x20;
	s26 =	simm.s32 @!p0 $0x1B800;
	s7 =	sadd.s32 @!p0 $0x16880, s6  }
0x75: {  	[tilespmem:s26], [sflag:$0x1] =	stream.indirect.gather @!p0 [hbm4b:s0+s22], $0x80, s7, s22, $0xb8;
	[tilespmem:$0x1F800] =	vst v63  }
0x76: {  	s7 =	simm.s32 @!p0 $0x6  }
0x77: {  	_ =	swait.ge @!p0 [sflag:s7], $0x800  }
0x78: {  	[sflag:s7] =	ssyncset.done @!p0 $0x0  }
0x79: {  	[sflag:s7] =	ssyncadd.s32 @!p0 $0xFFFFF800  }
0x7a: {  	_ =	swait.ge @!p0 [sflag:s7], $0x800  }
0x7b: {  	[sflag:s7] =	ssyncset.done @!p0 $0x0  }
0x7c: {  	s6 =	sadd.s32 @!p0 $0x168A0, s6;
	[sflag:s7] =	ssyncadd.s32 @!p0 $0xFFFFF800;
	s7 =	simm.s32 @!p0 $0x1C800  }
0x7d: {  	[tilespmem:s7], [sflag:$0x2] =	stream.indirect.gather @!p0 [hbm4b:s0+s22], $0x80, s6, s22, $0xb8;
	[tilespmem:$0x1F800] =	vst v63  }
0x7e: {  	_ =	swait.ge [sflag:s16], $0x800  }
.Ltmp0:
0x7f: {  	[sflag:s16] =	ssyncset.done $0x0;
	(pc) =	sbr.rel @p0 .LBB2_4-.Ltmp0, $4  }
0x80: {  	[sflag:s16] =	ssyncadd.s32 $0xFFFFF800  }
0x81: {  	_ =	swait.ge [sflag:s16], $0x800  }
0x82: {  	[sflag:s16] =	ssyncset.done $0x0  }
0x83: {  	[sflag:s16] =	ssyncadd.s32 $0xFFFFF800  }
0x84: {  	s6 =	sadd.s32 $0x168C0, s5  }
0x85: {  	[tilespmem:s30], [sflag:$0x3] =	stream.indirect.gather [hbm4b:s0+s24], $0x80, s6, s24, $0xb8;
	[tilespmem:$0x1F800] =	vst v63  }
0x86: {  	_ =	swait.ge [sflag:s17], $0x800  }
0x87: {  	[sflag:s17] =	ssyncset.done $0x0  }
.Ltmp1:
0x88: {  	[sflag:s17] =	ssyncadd.s32 $0xFFFFF800;
	(pc) =	sbr.rel .LBB2_2-.Ltmp1, $4  }
0x89: {  	_ =	swait.ge [sflag:s17], $0x800  }
0x8a: {  	[sflag:s17] =	ssyncset.done $0x0  }
0x8b: {  	s26 =	sadd.s32 $0x168E0, s5;
	s31 =	sadd.s32 $0x200, s31;
	[sflag:s17] =	ssyncadd.s32 $0xFFFFF800  }
0x8c: {  	[tilespmem:s1], [sflag:$0x4] =	stream.indirect.gather [hbm4b:s0+s24], $0x80, s26, s24, $0xb8;
	[tilespmem:$0x1F800] =	vst v63  }
.LBB2_4:
0x8d: {  	_ =	swait.ge [sflag:s17], $0x800  }
0x8e: {  	[sflag:s17] =	ssyncset.done $0x0  }
0x8f: {  	[sflag:s17] =	ssyncadd.s32 $0xFFFFF800  }
0x90: {  	_ =	swait.ge [sflag:s17], $0x800  }
0x91: {  	[sflag:s17] =	ssyncset.done $0x0  }
0x92: {  	[sflag:s17] =	ssyncadd.s32 $0xFFFFF800  }
0x93: {  	_ =	swait.ge [sflag:s23], $0x100  }
0x94: {  	s5 =	simm.s32 $0x277;
	[sflag:s23] =	ssyncset.done $0x0  }
.LBB2_5:
0x95: {  	p0 =	sne.s32 s5, $0x1;
	s5 =	sadd.s32 $0xFFFFFFFF, s5;
	[sflag:s23] =	ssyncadd.s32 $0xFFFFFF00  }
.Ltmp2:
0x96: {  	(pc) =	sbr.rel @p0 .LBB2_5-.Ltmp2, $3  }
0x97: {  	_ =	sdelay $0x1  }
0x98: {  	_ =	swait.ge [sflag:s23], $0x100  }
0x99: {  	[sflag:s23] =	ssyncset.done $0x0  }
0x9a: {  	[sflag:s23] =	ssyncadd.s32 $0xFFFFFF00  }
0x9b: {  	[bflag:$0x0] =	sbarrier.arrive $0xFFFF  }
0x9c: {  	s5 =	rddreg [dreg:$0xc]  }
0x9d: {  	s6 =	rddreg [dreg:$0x13]  }
0x9e: {  	[hbm:s5], [sflag:s19] =	dma.local [spmem:s6], $0x2800  }
0x9f: {  	_ =	swait.ge [sflag:s21], $0x2800  }
0xa0: {  	[sflag:s21] =	ssyncset.done $0x0  }
0xa1: {  	s22 =	rddreg [dreg:$0xd];
	[sflag:s21] =	ssyncadd.s32 $0xFFFFD800  }
0xa2: {  	[hbm:s22], [sflag:s19] =	dma.local [spmem:s29], $0x500  }
0xa3: {  	_ =	swait.ge [sflag:s21], $0x500  }
0xa4: {  	[sflag:s21] =	ssyncset.done $0x0  }
0xa5: {  	s26 =	rddreg [dreg:$0x5];
	[sflag:s21] =	ssyncadd.s32 $0xFFFFFB00  }
0xa6: {  	[spmem:s6], [sflag:s19] =	dma.local [hbm:s26], $0x2800  }
0xa7: {  	_ =	swait.ge [sflag:s21], $0x2800  }
0xa8: {  	[sflag:s21] =	ssyncset.done $0x0  }
0xa9: {  	s6 =	rddreg [dreg:$0x6];
	[sflag:s21] =	ssyncadd.s32 $0xFFFFD800  }
0xaa: {  	[spmem:s29], [sflag:s19] =	dma.local [hbm:s6], $0x500  }
0xab: {  	_ =	swait.ge [sflag:s21], $0x500  }
0xac: {  	[sflag:s21] =	ssyncset.done $0x0  }
0xad: {  	[sflag:s21] =	ssyncadd.s32 $0xFFFFFB00  }
0xae: {  	[bflag:$0x0] =	sbarrier.arrive $0xFFFF  }
0xaf: {  	s31 =	simm.s32 $0x0;
	s22 =	simm.s32 $0x16800;
	s7 =	rddreg [dreg:$0xe]  }
0xb0: {  	[tilespmem:s22], [sflag:$0xA] =	stream.linear.gather [hbm4b:s7+s31], $0x2780, $0x38;
	[tilespmem:$0x1F800] =	vst v63  }
0xb1: {  	_ =	swait.ge [sflag:s21], $0x2780  }
0xb2: {  	[sflag:s21] =	ssyncset.done $0x0  }
0xb3: {  	s7 =	simm.s32 $0x18F80;
	s26 =	rddreg [dreg:$0xf];
	[sflag:s21] =	ssyncadd.s32 $0xFFFFD880  }
0xb4: {  	[tilespmem:s7], [sflag:$0xA] =	stream.linear.gather [hbm4b:s26+s31], $0x2780, $0x38;
	[tilespmem:$0x1F800] =	vst v63  }
0xb5: {  	_ =	swait.ge [sflag:s21], $0x2780  }
0xb6: {  	[sflag:s21] =	ssyncset.done $0x0  }
0xb7: {  	[sflag:s21] =	ssyncadd.s32 $0xFFFFD880  }
0xb8: {  	[tilespmem:s25], [sflag:$0x1] =	stream.indirect.gather [hbm4b:s0+s24], $0x80, s22, s24, $0xb8;
	[tilespmem:$0x1F800] =	vst v63  }
0xb9: {  	s7 =	simm.s32 $0x16820  }
0xba: {  	[tilespmem:s28], [sflag:$0x2] =	stream.indirect.gather [hbm4b:s0+s24], $0x80, s7, s24, $0xb8;
	[tilespmem:$0x1F800] =	vst v63  }
0xbb: {  	s22 =	simm.s32 $0x16840  }
0xbc: {  	[tilespmem:s30], [sflag:$0x3] =	stream.indirect.gather [hbm4b:s0+s24], $0x80, s22, s24, $0xb8;
	[tilespmem:$0x1F800] =	vst v63  }
0xbd: {  	s26 =	simm.s32 $0x16860  }
0xbe: {  	[tilespmem:s1], [sflag:$0x4] =	stream.indirect.gather [hbm4b:s0+s24], $0x80, s26, s24, $0xb8;
	[tilespmem:$0x1F800] =	vst v63  }
.LBB2_7:
0xbf: {  	_ =	swait.ge [sflag:s2], $0x1000  }
0xc0: {  	[sflag:s2] =	ssyncset.done $0x0  }
0xc1: {  	s5 =	sshra.s32 s31, $0x2;
	[sflag:s2] =	ssyncadd.s32 $0xFFFFF000  }
0xc2: {  	v0 =	vld [tilespmem:s5+$0x18F80];
	_ =	sdelay $0x7  }
0xc3: {  	[spmem:s3] =	stream.indirect_vreg.scatter.add.f32 [tilespmem:s25], [sflag:$0x5], $0x80, v0, vm0, $0xb8;
	[tilespmem:$0x1F800] =	vst v63  }
0xc4: {  	_ = 	snop  }
0xc5: {  	[spmem:s4] =	stream.indirect_vreg.scatter.add.f32 [tilespmem:s20], [sflag:$0x9], $0x10, v0, vm0, $0xb8;
	[tilespmem:$0x1F800] =	vst v63  }
0xc6: {  	v0 =	vld [tilespmem:s5+$0x18F90];
	_ =	sdelay $0x7  }
0xc7: {  	[spmem:s3] =	stream.indirect_vreg.scatter.add.f32 [tilespmem:s8], [sflag:$0x5], $0x80, v0, vm0, $0xb8;
	[tilespmem:$0x1F800] =	vst v63  }
0xc8: {  	_ = 	snop  }
0xc9: {  	[spmem:s4] =	stream.indirect_vreg.scatter.add.f32 [tilespmem:s20], [sflag:$0x9], $0x10, v0, vm0, $0xb8;
	[tilespmem:$0x1F800] =	vst v63  }
0xca: {  	_ =	swait.ge [sflag:s9], $0x1000  }
0xcb: {  	[sflag:s9] =	ssyncset.done $0x0  }
0xcc: {  	[sflag:s9] =	ssyncadd.s32 $0xFFFFF000  }
0xcd: {  	v61 =	vld [tilespmem:s5+$0x18FA0];
	_ =	sdelay $0x7  }
0xce: {  	[spmem:s3] =	stream.indirect_vreg.scatter.add.f32 [tilespmem:s28], [sflag:$0x6], $0x80, v61, vm0, $0xb8;
	[tilespmem:$0x1F800] =	vst v63  }
0xcf: {  	_ = 	snop  }
0xd0: {  	[spmem:s4] =	stream.indirect_vreg.scatter.add.f32 [tilespmem:s20], [sflag:$0x9], $0x10, v61, vm0, $0xb8;
	[tilespmem:$0x1F800] =	vst v63  }
0xd1: {  	v0 =	vld [tilespmem:s5+$0x18FB0];
	_ =	sdelay $0x7  }
0xd2: {  	[spmem:s3] =	stream.indirect_vreg.scatter.add.f32 [tilespmem:s10], [sflag:$0x6], $0x80, v0, vm0, $0xb8;
	[tilespmem:$0x1F800] =	vst v63  }
0xd3: {  	_ = 	snop  }
0xd4: {  	[spmem:s4] =	stream.indirect_vreg.scatter.add.f32 [tilespmem:s20], [sflag:$0x9], $0x10, v0, vm0, $0xb8;
	[tilespmem:$0x1F800] =	vst v63  }
0xd5: {  	_ =	swait.ge [sflag:s11], $0x1000  }
0xd6: {  	[sflag:s11] =	ssyncset.done $0x0  }
0xd7: {  	[sflag:s11] =	ssyncadd.s32 $0xFFFFF000  }
0xd8: {  	v62 =	vld [tilespmem:s5+$0x18FC0];
	_ =	sdelay $0x7  }
0xd9: {  	[spmem:s3] =	stream.indirect_vreg.scatter.add.f32 [tilespmem:s30], [sflag:$0x7], $0x80, v62, vm0, $0xb8;
	[tilespmem:$0x1F800] =	vst v63  }
0xda: {  	_ = 	snop  }
0xdb: {  	[spmem:s4] =	stream.indirect_vreg.scatter.add.f32 [tilespmem:s20], [sflag:$0x9], $0x10, v62, vm0, $0xb8;
	[tilespmem:$0x1F800] =	vst v63  }
0xdc: {  	v0 =	vld [tilespmem:s5+$0x18FD0];
	_ =	sdelay $0x7  }
0xdd: {  	[spmem:s3] =	stream.indirect_vreg.scatter.add.f32 [tilespmem:s12], [sflag:$0x7], $0x80, v0, vm0, $0xb8;
	[tilespmem:$0x1F800] =	vst v63  }
0xde: {  	_ = 	snop  }
0xdf: {  	[spmem:s4] =	stream.indirect_vreg.scatter.add.f32 [tilespmem:s20], [sflag:$0x9], $0x10, v0, vm0, $0xb8;
	[tilespmem:$0x1F800] =	vst v63  }
0xe0: {  	_ =	swait.ge [sflag:s13], $0x1000  }
0xe1: {  	[sflag:s13] =	ssyncset.done $0x0  }
0xe2: {  	[sflag:s13] =	ssyncadd.s32 $0xFFFFF000  }
0xe3: {  	v63 =	vld [tilespmem:s5+$0x18FE0];
	_ =	sdelay $0x7  }
0xe4: {  	[spmem:s3] =	stream.indirect_vreg.scatter.add.f32 [tilespmem:s1], [sflag:$0x8], $0x80, v63, vm0, $0xb8;
	[tilespmem:$0x1F800] =	vst v63  }
0xe5: {  	_ = 	snop  }
0xe6: {  	[spmem:s4] =	stream.indirect_vreg.scatter.add.f32 [tilespmem:s20], [sflag:$0x9], $0x10, v63, vm0, $0xb8;
	[tilespmem:$0x1F800] =	vst v63  }
0xe7: {  	v0 =	vld [tilespmem:s5+$0x18FF0];
	_ =	sdelay $0x7  }
0xe8: {  	[spmem:s3] =	stream.indirect_vreg.scatter.add.f32 [tilespmem:s14], [sflag:$0x8], $0x80, v0, vm0, $0xb8;
	[tilespmem:$0x1F800] =	vst v63  }
0xe9: {  	_ = 	snop  }
0xea: {  	[spmem:s4] =	stream.indirect_vreg.scatter.add.f32 [tilespmem:s20], [sflag:$0x9], $0x10, v0, vm0, $0xb8;
	[tilespmem:$0x1F800] =	vst v63  }
0xeb: {  	_ =	swait.ge [sflag:s15], $0x800  }
0xec: {  	[sflag:s15] =	ssyncset.done $0x0  }
0xed: {  	[sflag:s15] =	ssyncadd.s32 $0xFFFFF800  }
0xee: {  	_ =	swait.ge [sflag:s15], $0x800  }
0xef: {  	p0 =	seq.s32 s31, $0x9C00;
	[sflag:s15] =	ssyncset.done $0x0  }
0xf0: {  	s6 =	simm.s32 @p0 $0x6;
	[sflag:s15] =	ssyncadd.s32 $0xFFFFF800  }
0xf1: {  	_ =	swait.ge @p0 [sflag:s6], $0x800  }
0xf2: {  	[sflag:s6] =	ssyncset.done @p0 $0x0  }
0xf3: {  	[sflag:s6] =	ssyncadd.s32 @p0 $0xFFFFF800  }
0xf4: {  	_ =	swait.ge @p0 [sflag:s6], $0x800  }
0xf5: {  	[sflag:s6] =	ssyncset.done @p0 $0x0  }
0xf6: {  	[sflag:s6] =	ssyncadd.s32 @p0 $0xFFFFF800;
	s6 =	sshra.s32 @!p0 s31, $0x2  }
0xf7: {  	s22 =	simm.s32 @!p0 $0x20;
	s26 =	simm.s32 @!p0 $0x1B800;
	s7 =	sadd.s32 @!p0 $0x16880, s6  }
0xf8: {  	[tilespmem:s26], [sflag:$0x1] =	stream.indirect.gather @!p0 [hbm4b:s0+s22], $0x80, s7, s22, $0xb8;
	[tilespmem:$0x1F800] =	vst v63  }
0xf9: {  	s7 =	simm.s32 @!p0 $0x6  }
0xfa: {  	_ =	swait.ge @!p0 [sflag:s7], $0x800  }
0xfb: {  	[sflag:s7] =	ssyncset.done @!p0 $0x0  }
0xfc: {  	[sflag:s7] =	ssyncadd.s32 @!p0 $0xFFFFF800  }
0xfd: {  	_ =	swait.ge @!p0 [sflag:s7], $0x800  }
0xfe: {  	[sflag:s7] =	ssyncset.done @!p0 $0x0  }
0xff: {  	s6 =	sadd.s32 @!p0 $0x168A0, s6;
	[sflag:s7] =	ssyncadd.s32 @!p0 $0xFFFFF800;
	s7 =	simm.s32 @!p0 $0x1C800  }
0x100: {  	[tilespmem:s7], [sflag:$0x2] =	stream.indirect.gather @!p0 [hbm4b:s0+s22], $0x80, s6, s22, $0xb8;
	[tilespmem:$0x1F800] =	vst v63  }
0x101: {  	_ =	swait.ge [sflag:s16], $0x800  }
.Ltmp3:
0x102: {  	[sflag:s16] =	ssyncset.done $0x0;
	(pc) =	sbr.rel @p0 .LBB2_9-.Ltmp3, $4  }
0x103: {  	[sflag:s16] =	ssyncadd.s32 $0xFFFFF800  }
0x104: {  	_ =	swait.ge [sflag:s16], $0x800  }
0x105: {  	[sflag:s16] =	ssyncset.done $0x0  }
0x106: {  	[sflag:s16] =	ssyncadd.s32 $0xFFFFF800  }
0x107: {  	s6 =	sadd.s32 $0x168C0, s5  }
0x108: {  	[tilespmem:s30], [sflag:$0x3] =	stream.indirect.gather [hbm4b:s0+s24], $0x80, s6, s24, $0xb8;
	[tilespmem:$0x1F800] =	vst v63  }
0x109: {  	_ =	swait.ge [sflag:s17], $0x800  }
0x10a: {  	[sflag:s17] =	ssyncset.done $0x0  }
.Ltmp4:
0x10b: {  	[sflag:s17] =	ssyncadd.s32 $0xFFFFF800;
	(pc) =	sbr.rel .LBB2_7-.Ltmp4, $4  }
0x10c: {  	_ =	swait.ge [sflag:s17], $0x800  }
0x10d: {  	[sflag:s17] =	ssyncset.done $0x0  }
0x10e: {  	s26 =	sadd.s32 $0x168E0, s5;
	s31 =	sadd.s32 $0x200, s31;
	[sflag:s17] =	ssyncadd.s32 $0xFFFFF800  }
0x10f: {  	[tilespmem:s1], [sflag:$0x4] =	stream.indirect.gather [hbm4b:s0+s24], $0x80, s26, s24, $0xb8;
	[tilespmem:$0x1F800] =	vst v63  }
.LBB2_9:
0x110: {  	_ =	swait.ge [sflag:s17], $0x800  }
0x111: {  	[sflag:s17] =	ssyncset.done $0x0  }
0x112: {  	[sflag:s17] =	ssyncadd.s32 $0xFFFFF800  }
0x113: {  	_ =	swait.ge [sflag:s17], $0x800  }
0x114: {  	[sflag:s17] =	ssyncset.done $0x0  }
0x115: {  	[sflag:s17] =	ssyncadd.s32 $0xFFFFF800  }
0x116: {  	_ =	swait.ge [sflag:s23], $0x100  }
0x117: {  	s5 =	simm.s32 $0x277;
	[sflag:s23] =	ssyncset.done $0x0  }
.LBB2_10:
0x118: {  	p0 =	sne.s32 s5, $0x1;
	s5 =	sadd.s32 $0xFFFFFFFF, s5;
	[sflag:s23] =	ssyncadd.s32 $0xFFFFFF00  }
.Ltmp5:
0x119: {  	(pc) =	sbr.rel @p0 .LBB2_10-.Ltmp5, $3  }
0x11a: {  	_ =	sdelay $0x1  }
0x11b: {  	_ =	swait.ge [sflag:s23], $0x100  }
0x11c: {  	[sflag:s23] =	ssyncset.done $0x0  }
0x11d: {  	[sflag:s23] =	ssyncadd.s32 $0xFFFFFF00  }
0x11e: {  	[bflag:$0x0] =	sbarrier.arrive $0xFFFF  }
0x11f: {  	s5 =	rddreg [dreg:$0x10]  }
0x120: {  	s6 =	rddreg [dreg:$0x13]  }
0x121: {  	[hbm:s5], [sflag:s19] =	dma.local [spmem:s6], $0x2800  }
0x122: {  	_ =	swait.ge [sflag:s21], $0x2800  }
0x123: {  	[sflag:s21] =	ssyncset.done $0x0  }
0x124: {  	s26 =	rddreg [dreg:$0x11];
	[sflag:s21] =	ssyncadd.s32 $0xFFFFD800  }
0x125: {  	[hbm:s26], [sflag:s19] =	dma.local [spmem:s29], $0x500  }
0x126: {  	_ =	swait.ge [sflag:s21], $0x500  }
0x127: {  	s18 =	sadd.s32 $0x1, s18;
	s31 =	rddreg [dreg:$0x12]  }
0x128: {  	p0 =	sne.s32 s18, s31  }
.Ltmp6:
0x129: {  	_ = 	snop;
	(pc) =	sbr.rel @p0 .LBB2_1-.Ltmp6, $3  }
0x12a: {  	_ =	sdelay $0x1  }
0x12b: {  	[sflag:s21] =	ssyncset.done $0x0  }
0x12c: {  	[sflag:s21] =	ssyncadd.s32 $0xFFFFFB00  }
0x12d: {  	_ =	sfence.sel $0x180000  }
0x12e: {  	[bflag:$0x0] =	sbarrier.arrive $0xFFFF  }
0x12f: {  	_ =	strace $0x90000047  }
0x130: {  	s0 =	stileid.u32;
	[bflag:$0x2] =	sbarrier.arrive $0xFFFF  }
0x131: {  	p0 =	sne.s32 s0, $0x0;
	s0 =	rddreg [dreg:$0x4]  }
0x132: {  	s0 =	sadd.s32 @!p0 $0x100000, s0  }
0x133: {  	[sflag:s0] =	ssyncadd.tile.s32 @!p0 $0x1;
	_ =	shalt  }
.Lfunc_end2:
_tile_overlayer_lowered:
.L_overlay_start_2:
0x134: {  	(tag) =	ssettag $0x2  }
0x135: {  	s0 =	rddreg [dreg:$0x0];
	s2 =	stileid.u32  }
0x136: {  	s1 =	rddreg [dreg:$0x1];
	p0 =	sne.s32 s2, $0x0  }
0x137: {  	s3 =	rddreg [dreg:$0x2];
	[bflag:$0x3] =	sbarrier.arrive $0xFFFF;
	s2 =	simm.s32 @!p0 $0x1C0A  }
0x138: {  	[timem:s3], [sflag:s2] =	dma.local @!p0 [hbm:s0], s1  }
0x139: {  	s0 =	simm.s32 @!p0 $0xA  }
0x13a: {  	_ =	swait.ge @!p0 [sflag:s0], s1  }
0x13b: {  	s1 =	ssub.s32 @!p0 $0x0, s1;
	[sflag:s0] =	ssyncset.done @!p0 $0x0  }
0x13c: {  	[sflag:s0] =	ssyncadd.s32 @!p0 s1  }
0x13d: {  	[bflag:$0x3] =	sbarrier.arrive $0xFFFF  }
0x13e: {  	_ =	shalt  }

</sc_bundles>
